<compile_context>
chip_gen: v7x
topology: tpu7x:2x2x1
jax: 0.10.2.dev20260603
libtpu: 0.0.44.dev20260713+nightly
codegen_flags: <defaults>
</compile_context>

<pallas_src>
import functools

import jax
import jax.numpy as jnp
from jax import lax
from jax.experimental import pallas as pl
from jax.experimental.pallas import tpu as pltpu
from jax.experimental.pallas import tpu_sc as plsc

_NVEC1 = 1000
_NC = 2
_NS = 16
_NW = _NC * _NS
_LANES = 16
_CHUNK = 128


def kernel(xs, table):
    B = xs.shape[0]
    b_per_w = B // _NW
    n_chunks = b_per_w // _CHUNK
    rows_per_w = 2 * n_chunks
    per_chunk = _CHUNK // _LANES

    mesh = plsc.VectorSubcoreMesh(core_axis_name="c", subcore_axis_name="s")

    @functools.partial(
        pl.kernel,
        mesh=mesh,
        out_type=jax.ShapeDtypeStruct((B,), jnp.float32),
        scratch_types=[
            pltpu.VMEM((rows_per_w, _CHUNK), jnp.int32),
            pltpu.VMEM((n_chunks, _CHUNK), jnp.int32),
            pltpu.VMEM((b_per_w,), jnp.float32),
            pltpu.SemaphoreType.DMA,
            pltpu.SemaphoreType.DMA,
        ],
    )
    def _k(xsv_hbm, table_hbm, out_hbm, xs_v, idx_v, vals_v, in_sem, gat_sem):
        wid = lax.axis_index("s") * _NC + lax.axis_index("c")
        base = wid * b_per_w

        in_copies = [
            pltpu.async_copy(
                xsv_hbm.at[pl.ds(wid * rows_per_w + 2 * j, 2), :],
                xs_v.at[pl.ds(2 * j, 2), :],
                in_sem,
            )
            for j in range(n_chunks)
        ]

        copies = []
        for j in range(n_chunks):
            in_copies[j].wait()
            for i in range(per_chunk):
                x0 = xs_v[2 * j, pl.ds(i * _LANES, _LANES)]
                x1 = xs_v[2 * j + 1, pl.ds(i * _LANES, _LANES)]
                idx_v[j, pl.ds(i * _LANES, _LANES)] = x0 * _NVEC1 + x1
            copies.append(
                pltpu.async_copy(
                    table_hbm.at[idx_v.at[j]],
                    vals_v.at[pl.ds(j * _CHUNK, _CHUNK)],
                    gat_sem,
                )
            )
        out_copies = []
        for j, c in enumerate(copies):
            c.wait()
            out_copies.append(
                pltpu.async_copy(
                    vals_v.at[pl.ds(j * _CHUNK, _CHUNK)],
                    out_hbm.at[pl.ds(base + j * _CHUNK, _CHUNK)],
                    in_sem,
                )
            )
        for c in out_copies:
            c.wait()

    xs_view = xs.reshape(B // _CHUNK, _CHUNK, 2).transpose(0, 2, 1)
    xs_view = xs_view.reshape(2 * (B // _CHUNK), _CHUNK)
    pad = (-table.shape[0]) % 1024
    tp = jnp.pad(table, ((0, pad), (0, 0)))
    return _k(xs_view, tp.reshape(-1))

# --- scband reference (transcript-rebuilt; emitter-appended) ---
"""Pipeline reference for scband-energy-based-distribution-38500086842146 (READ-ONLY COPY).

The authoritative reference and input builder live on the scoring server;
editing this copy changes nothing except your own understanding.
"""

import jax, jax.numpy as jnp
import numpy as np

NVEC = (1000, 1000)
BATCH = 16384
NUM_EMB = int(np.prod(NVEC))  # 1_000_000
EMB_DIM = 1

def setup_inputs(seed: int = 0) -> dict:
    key = jax.random.key(seed)
    k1, k2 = jax.random.split(key)
    xs = jax.random.randint(k1, (BATCH, len(NVEC)), 0, 1000, dtype=jnp.int64 if jax.config.jax_enable_x64 else jnp.int32).astype(jnp.int32)
    # nn.Embedding default init: N(0, 1)
    table = jax.random.normal(k2, (NUM_EMB, EMB_DIM), dtype=jnp.float32)
    return {"xs": xs, "table": table}

def reference(xs, table):
    # EnergyBasedDistribution with full-set idxs = [[0, 1]] and a single
    # BasicDiscetePotential over nvec=[1000, 1000].
    # energy(xs) = sum over potentials of phi(xs[:, idx]); here one potential.
    # BasicDiscetePotential.forward: ravel_multi_index(xs.T, nvec) -> embed -> squeeze(-1)
    # ravel_multi_index for nvec=(1000,1000): flat = xs[:,0]*1000 + xs[:,1]
    flat_idx = xs[:, 0].astype(jnp.int32) * NVEC[1] + xs[:, 1].astype(jnp.int32)
    logits = jnp.take(table, flat_idx, axis=0)  # (BATCH, 1) gather
    e = jnp.squeeze(logits, axis=-1)  # (BATCH,)
    return e

if __name__ == "__main__":
    import jax
    _d = setup_inputs()
    print(jax.jit(kernel)(*tuple(_d.values())))

</pallas_src>

<mosaic_0001>
#map = affine_map<(d0, d1) -> (0, 0)>
#map1 = affine_map<(d0, d1) -> (0)>
module attributes {stable_mosaic.version = 14 : i64} {
  func.func @_k(%arg0: i32, %arg1: i32, %arg2: memref<256x128xi32, #tpu.memory_space<hbm>>, %arg3: memref<1000448xf32, #tpu.memory_space<hbm>>, %arg4: memref<16384xf32, #tpu.memory_space<hbm>>, %arg5: memref<8x128xi32, #tpu.memory_space<vmem>>, %arg6: memref<4x128xi32, #tpu.memory_space<vmem>>, %arg7: memref<512xf32, #tpu.memory_space<vmem>>, %arg8: memref<!tpu.dma_semaphore, #tpu.memory_space<semaphore_mem>>, %arg9: memref<!tpu.dma_semaphore, #tpu.memory_space<semaphore_mem>>) attributes {dimension_semantics = [#tpu.dimension_semantics<core_parallel>, #tpu.dimension_semantics<subcore_parallel>], iteration_bounds = array<i64: 2, 16>, scalar_prefetch = 0 : i64, scratch_operands = 5 : i64, tpu.core_type = #tpu.core_type<sc_vector_subcore>, window_params = [{transform_indices = #map}, {transform_indices = #map1}, {transform_indices = #map1}]} {
    %mul3A = arith.constant 2 : i32
    %mul3A_0 = arith.muli %arg1, %mul3A : i32
    %add3A = arith.addi %mul3A_0, %arg0 : i32
    %mul3A_1 = arith.constant 512 : i32
    %mul3A_2 = arith.muli %add3A, %mul3A_1 : i32
    %mul3A_3 = arith.constant 8 : i32
    %mul3A_4 = arith.muli %add3A, %mul3A_3 : i32
    %add3A_5 = arith.constant 0 : i32
    %add3A_6 = arith.addi %mul3A_4, %add3A_5 : i32
    %dma_start3A = arith.constant 0 : i32
    %dma_start3A_7 = arith.constant 0 : i32
    %dma_start3A_8 = tpu.memref_slice %arg5[%dma_start3A, %dma_start3A_7] : memref<8x128xi32, #tpu.memory_space<vmem>> -> memref<2x128xi32, #tpu.memory_space<vmem>>
    %dma_start3A_9 = arith.constant 0 : i32
    %dma_start3A_10 = tpu.memref_slice %arg2[%add3A_6, %dma_start3A_9] : memref<256x128xi32, #tpu.memory_space<hbm>> -> memref<2x128xi32, #tpu.memory_space<hbm>>
    %dma_start3A_11 = arith.constant 0 : i32
    %dma_start3A_12 = arith.constant 0 : i32
    %dma_start3A_13 = tpu.memref_slice %arg5[%dma_start3A_11, %dma_start3A_12] : memref<8x128xi32, #tpu.memory_space<vmem>> -> memref<2x128xi32, #tpu.memory_space<vmem>>
    %dma_start3A_14 = arith.constant 0 : i32
    %dma_start3A_15 = tpu.memref_slice %arg2[%add3A_6, %dma_start3A_14] : memref<256x128xi32, #tpu.memory_space<hbm>> -> memref<2x128xi32, #tpu.memory_space<hbm>>
    tpu.enqueue_dma source(%dma_start3A_15 : memref<2x128xi32, #tpu.memory_space<hbm>>) target(%dma_start3A_13 : memref<2x128xi32, #tpu.memory_space<vmem>>) target_semaphore(%arg8 : memref<!tpu.dma_semaphore, #tpu.memory_space<semaphore_mem>>)
    %mul3A_16 = arith.constant 8 : i32
    %mul3A_17 = arith.muli %add3A, %mul3A_16 : i32
    %add3A_18 = arith.constant 2 : i32
    %add3A_19 = arith.addi %mul3A_17, %add3A_18 : i32
    %dma_start3A_20 = arith.constant 2 : i32
    %dma_start3A_21 = arith.constant 0 : i32
    %dma_start3A_22 = tpu.memref_slice %arg5[%dma_start3A_20, %dma_start3A_21] : memref<8x128xi32, #tpu.memory_space<vmem>> -> memref<2x128xi32, #tpu.memory_space<vmem>>
    %dma_start3A_23 = arith.constant 0 : i32
    %dma_start3A_24 = tpu.memref_slice %arg2[%add3A_19, %dma_start3A_23] : memref<256x128xi32, #tpu.memory_space<hbm>> -> memref<2x128xi32, #tpu.memory_space<hbm>>
    %dma_start3A_25 = arith.constant 2 : i32
    %dma_start3A_26 = arith.constant 0 : i32
    %dma_start3A_27 = tpu.memref_slice %arg5[%dma_start3A_25, %dma_start3A_26] : memref<8x128xi32, #tpu.memory_space<vmem>> -> memref<2x128xi32, #tpu.memory_space<vmem>>
    %dma_start3A_28 = arith.constant 0 : i32
    %dma_start3A_29 = tpu.memref_slice %arg2[%add3A_19, %dma_start3A_28] : memref<256x128xi32, #tpu.memory_space<hbm>> -> memref<2x128xi32, #tpu.memory_space<hbm>>
    tpu.enqueue_dma source(%dma_start3A_29 : memref<2x128xi32, #tpu.memory_space<hbm>>) target(%dma_start3A_27 : memref<2x128xi32, #tpu.memory_space<vmem>>) target_semaphore(%arg8 : memref<!tpu.dma_semaphore, #tpu.memory_space<semaphore_mem>>)
    %mul3A_30 = arith.constant 8 : i32
    %mul3A_31 = arith.muli %add3A, %mul3A_30 : i32
    %add3A_32 = arith.constant 4 : i32
    %add3A_33 = arith.addi %mul3A_31, %add3A_32 : i32
    %dma_start3A_34 = arith.constant 4 : i32
    %dma_start3A_35 = arith.constant 0 : i32
    %dma_start3A_36 = tpu.memref_slice %arg5[%dma_start3A_34, %dma_start3A_35] : memref<8x128xi32, #tpu.memory_space<vmem>> -> memref<2x128xi32, #tpu.memory_space<vmem>>
    %dma_start3A_37 = arith.constant 0 : i32
    %dma_start3A_38 = tpu.memref_slice %arg2[%add3A_33, %dma_start3A_37] : memref<256x128xi32, #tpu.memory_space<hbm>> -> memref<2x128xi32, #tpu.memory_space<hbm>>
    %dma_start3A_39 = arith.constant 4 : i32
    %dma_start3A_40 = arith.constant 0 : i32
    %dma_start3A_41 = tpu.memref_slice %arg5[%dma_start3A_39, %dma_start3A_40] : memref<8x128xi32, #tpu.memory_space<vmem>> -> memref<2x128xi32, #tpu.memory_space<vmem>>
    %dma_start3A_42 = arith.constant 0 : i32
    %dma_start3A_43 = tpu.memref_slice %arg2[%add3A_33, %dma_start3A_42] : memref<256x128xi32, #tpu.memory_space<hbm>> -> memref<2x128xi32, #tpu.memory_space<hbm>>
    tpu.enqueue_dma source(%dma_start3A_43 : memref<2x128xi32, #tpu.memory_space<hbm>>) target(%dma_start3A_41 : memref<2x128xi32, #tpu.memory_space<vmem>>) target_semaphore(%arg8 : memref<!tpu.dma_semaphore, #tpu.memory_space<semaphore_mem>>)
    %mul3A_44 = arith.constant 8 : i32
    %mul3A_45 = arith.muli %add3A, %mul3A_44 : i32
    %add3A_46 = arith.constant 6 : i32
    %add3A_47 = arith.addi %mul3A_45, %add3A_46 : i32
    %dma_start3A_48 = arith.constant 6 : i32
    %dma_start3A_49 = arith.constant 0 : i32
    %dma_start3A_50 = tpu.memref_slice %arg5[%dma_start3A_48, %dma_start3A_49] : memref<8x128xi32, #tpu.memory_space<vmem>> -> memref<2x128xi32, #tpu.memory_space<vmem>>
    %dma_start3A_51 = arith.constant 0 : i32
    %dma_start3A_52 = tpu.memref_slice %arg2[%add3A_47, %dma_start3A_51] : memref<256x128xi32, #tpu.memory_space<hbm>> -> memref<2x128xi32, #tpu.memory_space<hbm>>
    %dma_start3A_53 = arith.constant 6 : i32
    %dma_start3A_54 = arith.constant 0 : i32
    %dma_start3A_55 = tpu.memref_slice %arg5[%dma_start3A_53, %dma_start3A_54] : memref<8x128xi32, #tpu.memory_space<vmem>> -> memref<2x128xi32, #tpu.memory_space<vmem>>
    %dma_start3A_56 = arith.constant 0 : i32
    %dma_start3A_57 = tpu.memref_slice %arg2[%add3A_47, %dma_start3A_56] : memref<256x128xi32, #tpu.memory_space<hbm>> -> memref<2x128xi32, #tpu.memory_space<hbm>>
    tpu.enqueue_dma source(%dma_start3A_57 : memref<2x128xi32, #tpu.memory_space<hbm>>) target(%dma_start3A_55 : memref<2x128xi32, #tpu.memory_space<vmem>>) target_semaphore(%arg8 : memref<!tpu.dma_semaphore, #tpu.memory_space<semaphore_mem>>)
    %dma_wait3A = arith.constant 0 : i32
    %dma_wait3A_58 = arith.constant 0 : i32
    %dma_wait3A_59 = tpu.memref_slice %arg5[%dma_wait3A, %dma_wait3A_58] : memref<8x128xi32, #tpu.memory_space<vmem>> -> memref<2x128xi32, #tpu.memory_space<vmem>>
    %dma_wait3A_60 = arith.constant 0 : i32
    %dma_wait3A_61 = tpu.memref_slice %arg2[%add3A_6, %dma_wait3A_60] : memref<256x128xi32, #tpu.memory_space<hbm>> -> memref<2x128xi32, #tpu.memory_space<hbm>>
    %dma_wait3A_62 = arith.constant 0 : i32
    %dma_wait3A_63 = arith.constant 0 : i32
    %dma_wait3A_64 = tpu.memref_slice %arg5[%dma_wait3A_62, %dma_wait3A_63] : memref<8x128xi32, #tpu.memory_space<vmem>> -> memref<2x128xi32, #tpu.memory_space<vmem>>
    %dma_wait3A_65 = arith.constant 0 : i32
    %dma_wait3A_66 = tpu.memref_slice %arg2[%add3A_6, %dma_wait3A_65] : memref<256x128xi32, #tpu.memory_space<hbm>> -> memref<2x128xi32, #tpu.memory_space<hbm>>
    tpu.wait_dma2 semaphore(%arg8 : memref<!tpu.dma_semaphore, #tpu.memory_space<semaphore_mem>>) src(%dma_wait3A_66 : memref<2x128xi32, #tpu.memory_space<hbm>>) dst(%dma_wait3A_64 : memref<2x128xi32, #tpu.memory_space<vmem>>)
    %get3A = arith.constant 0 : i32
    %get3A_67 = arith.index_cast %get3A : i32 to index
    %get3A_68 = arith.constant 0 : index
    %get3A_69 = tpu.vector_load %arg5[%get3A_67, %get3A_68] {strides = array<i32>} : memref<8x128xi32, #tpu.memory_space<vmem>>, vector<1x16xi32>,
    %get3A_70 = vector.shape_cast %get3A_69 : vector<1x16xi32> to vector<16xi32>
    %get3A_71 = arith.constant 1 : i32
    %get3A_72 = arith.index_cast %get3A_71 : i32 to index
    %get3A_73 = arith.constant 0 : index
    %get3A_74 = tpu.vector_load %arg5[%get3A_72, %get3A_73] {strides = array<i32>} : memref<8x128xi32, #tpu.memory_space<vmem>>, vector<1x16xi32>,
    %get3A_75 = vector.shape_cast %get3A_74 : vector<1x16xi32> to vector<16xi32>
    %mul3A_76 = arith.constant 1000 : i32
    %mul3A_77 = vector.broadcast %mul3A_76 : i32 to vector<16xi32>
    %mul3A_78 = arith.muli %get3A_70, %mul3A_77 : vector<16xi32>
    %add3A_79 = arith.addi %mul3A_78, %get3A_75 : vector<16xi32>
    %swap3A = arith.constant 0 : i32
    %swap3A_80 = arith.index_cast %swap3A : i32 to index
    %swap3A_81 = arith.constant 0 : index
    %swap3A_82 = tpu.vector_load %arg6[%swap3A_80, %swap3A_81] {strides = array<i32>} : memref<4x128xi32, #tpu.memory_space<vmem>>, vector<1x16xi32>,
    %swap3A_83 = vector.shape_cast %swap3A_82 : vector<1x16xi32> to vector<16xi32>
    %swap3A_84 = vector.shape_cast %add3A_79 : vector<16xi32> to vector<1x16xi32>
    tpu.vector_store %arg6[%swap3A_80, %swap3A_81], %swap3A_84 {strides = array<i32>} : memref<4x128xi32, #tpu.memory_space<vmem>>, vector<1x16xi32>,
    %get3A_85 = arith.constant 0 : i32
    %get3A_86 = arith.index_cast %get3A_85 : i32 to index
    %get3A_87 = arith.constant 16 : index
    %get3A_88 = tpu.vector_load %arg5[%get3A_86, %get3A_87] {strides = array<i32>} : memref<8x128xi32, #tpu.memory_space<vmem>>, vector<1x16xi32>,
    %get3A_89 = vector.shape_cast %get3A_88 : vector<1x16xi32> to vector<16xi32>
    %get3A_90 = arith.constant 1 : i32
    %get3A_91 = arith.index_cast %get3A_90 : i32 to index
    %get3A_92 = arith.constant 16 : index
    %get3A_93 = tpu.vector_load %arg5[%get3A_91, %get3A_92] {strides = array<i32>} : memref<8x128xi32, #tpu.memory_space<vmem>>, vector<1x16xi32>,
    %get3A_94 = vector.shape_cast %get3A_93 : vector<1x16xi32> to vector<16xi32>
    %mul3A_95 = arith.constant 1000 : i32
    %mul3A_96 = vector.broadcast %mul3A_95 : i32 to vector<16xi32>
    %mul3A_97 = arith.muli %get3A_89, %mul3A_96 : vector<16xi32>
    %add3A_98 = arith.addi %mul3A_97, %get3A_94 : vector<16xi32>
    %swap3A_99 = arith.constant 0 : i32
    %swap3A_100 = arith.index_cast %swap3A_99 : i32 to index
    %swap3A_101 = arith.constant 16 : index
    %swap3A_102 = tpu.vector_load %arg6[%swap3A_100, %swap3A_101] {strides = array<i32>} : memref<4x128xi32, #tpu.memory_space<vmem>>, vector<1x16xi32>,
    %swap3A_103 = vector.shape_cast %swap3A_102 : vector<1x16xi32> to vector<16xi32>
    %swap3A_104 = vector.shape_cast %add3A_98 : vector<16xi32> to vector<1x16xi32>
    tpu.vector_store %arg6[%swap3A_100, %swap3A_101], %swap3A_104 {strides = array<i32>} : memref<4x128xi32, #tpu.memory_space<vmem>>, vector<1x16xi32>,
    %get3A_105 = arith.constant 0 : i32
    %get3A_106 = arith.index_cast %get3A_105 : i32 to index
    %get3A_107 = arith.constant 32 : index
    %get3A_108 = tpu.vector_load %arg5[%get3A_106, %get3A_107] {strides = array<i32>} : memref<8x128xi32, #tpu.memory_space<vmem>>, vector<1x16xi32>,
    %get3A_109 = vector.shape_cast %get3A_108 : vector<1x16xi32> to vector<16xi32>
    %get3A_110 = arith.constant 1 : i32
    %get3A_111 = arith.index_cast %get3A_110 : i32 to index
    %get3A_112 = arith.constant 32 : index
    %get3A_113 = tpu.vector_load %arg5[%get3A_111, %get3A_112] {strides = array<i32>} : memref<8x128xi32, #tpu.memory_space<vmem>>, vector<1x16xi32>,
    %get3A_114 = vector.shape_cast %get3A_113 : vector<1x16xi32> to vector<16xi32>
    %mul3A_115 = arith.constant 1000 : i32
    %mul3A_116 = vector.broadcast %mul3A_115 : i32 to vector<16xi32>
    %mul3A_117 = arith.muli %get3A_109, %mul3A_116 : vector<16xi32>
    %add3A_118 = arith.addi %mul3A_117, %get3A_114 : vector<16xi32>
    %swap3A_119 = arith.constant 0 : i32
    %swap3A_120 = arith.index_cast %swap3A_119 : i32 to index
    %swap3A_121 = arith.constant 32 : index
    %swap3A_122 = tpu.vector_load %arg6[%swap3A_120, %swap3A_121] {strides = array<i32>} : memref<4x128xi32, #tpu.memory_space<vmem>>, vector<1x16xi32>,
    %swap3A_123 = vector.shape_cast %swap3A_122 : vector<1x16xi32> to vector<16xi32>
    %swap3A_124 = vector.shape_cast %add3A_118 : vector<16xi32> to vector<1x16xi32>
    tpu.vector_store %arg6[%swap3A_120, %swap3A_121], %swap3A_124 {strides = array<i32>} : memref<4x128xi32, #tpu.memory_space<vmem>>, vector<1x16xi32>,
    %get3A_125 = arith.constant 0 : i32
    %get3A_126 = arith.index_cast %get3A_125 : i32 to index
    %get3A_127 = arith.constant 48 : index
    %get3A_128 = tpu.vector_load %arg5[%get3A_126, %get3A_127] {strides = array<i32>} : memref<8x128xi32, #tpu.memory_space<vmem>>, vector<1x16xi32>,
    %get3A_129 = vector.shape_cast %get3A_128 : vector<1x16xi32> to vector<16xi32>
    %get3A_130 = arith.constant 1 : i32
    %get3A_131 = arith.index_cast %get3A_130 : i32 to index
    %get3A_132 = arith.constant 48 : index
    %get3A_133 = tpu.vector_load %arg5[%get3A_131, %get3A_132] {strides = array<i32>} : memref<8x128xi32, #tpu.memory_space<vmem>>, vector<1x16xi32>,
    %get3A_134 = vector.shape_cast %get3A_133 : vector<1x16xi32> to vector<16xi32>
    %mul3A_135 = arith.constant 1000 : i32
    %mul3A_136 = vector.broadcast %mul3A_135 : i32 to vector<16xi32>
    %mul3A_137 = arith.muli %get3A_129, %mul3A_136 : vector<16xi32>
    %add3A_138 = arith.addi %mul3A_137, %get3A_134 : vector<16xi32>
    %swap3A_139 = arith.constant 0 : i32
    %swap3A_140 = arith.index_cast %swap3A_139 : i32 to index
    %swap3A_141 = arith.constant 48 : index
    %swap3A_142 = tpu.vector_load %arg6[%swap3A_140, %swap3A_141] {strides = array<i32>} : memref<4x128xi32, #tpu.memory_space<vmem>>, vector<1x16xi32>,
    %swap3A_143 = vector.shape_cast %swap3A_142 : vector<1x16xi32> to vector<16xi32>
    %swap3A_144 = vector.shape_cast %add3A_138 : vector<16xi32> to vector<1x16xi32>
    tpu.vector_store %arg6[%swap3A_140, %swap3A_141], %swap3A_144 {strides = array<i32>} : memref<4x128xi32, #tpu.memory_space<vmem>>, vector<1x16xi32>,
    %get3A_145 = arith.constant 0 : i32
    %get3A_146 = arith.index_cast %get3A_145 : i32 to index
    %get3A_147 = arith.constant 64 : index
    %get3A_148 = tpu.vector_load %arg5[%get3A_146, %get3A_147] {strides = array<i32>} : memref<8x128xi32, #tpu.memory_space<vmem>>, vector<1x16xi32>,
    %get3A_149 = vector.shape_cast %get3A_148 : vector<1x16xi32> to vector<16xi32>
    %get3A_150 = arith.constant 1 : i32
    %get3A_151 = arith.index_cast %get3A_150 : i32 to index
    %get3A_152 = arith.constant 64 : index
    %get3A_153 = tpu.vector_load %arg5[%get3A_151, %get3A_152] {strides = array<i32>} : memref<8x128xi32, #tpu.memory_space<vmem>>, vector<1x16xi32>,
    %get3A_154 = vector.shape_cast %get3A_153 : vector<1x16xi32> to vector<16xi32>
    %mul3A_155 = arith.constant 1000 : i32
    %mul3A_156 = vector.broadcast %mul3A_155 : i32 to vector<16xi32>
    %mul3A_157 = arith.muli %get3A_149, %mul3A_156 : vector<16xi32>
    %add3A_158 = arith.addi %mul3A_157, %get3A_154 : vector<16xi32>
    %swap3A_159 = arith.constant 0 : i32
    %swap3A_160 = arith.index_cast %swap3A_159 : i32 to index
    %swap3A_161 = arith.constant 64 : index
    %swap3A_162 = tpu.vector_load %arg6[%swap3A_160, %swap3A_161] {strides = array<i32>} : memref<4x128xi32, #tpu.memory_space<vmem>>, vector<1x16xi32>,
    %swap3A_163 = vector.shape_cast %swap3A_162 : vector<1x16xi32> to vector<16xi32>
    %swap3A_164 = vector.shape_cast %add3A_158 : vector<16xi32> to vector<1x16xi32>
    tpu.vector_store %arg6[%swap3A_160, %swap3A_161], %swap3A_164 {strides = array<i32>} : memref<4x128xi32, #tpu.memory_space<vmem>>, vector<1x16xi32>,
    %get3A_165 = arith.constant 0 : i32
    %get3A_166 = arith.index_cast %get3A_165 : i32 to index
    %get3A_167 = arith.constant 80 : index
    %get3A_168 = tpu.vector_load %arg5[%get3A_166, %get3A_167] {strides = array<i32>} : memref<8x128xi32, #tpu.memory_space<vmem>>, vector<1x16xi32>,
    %get3A_169 = vector.shape_cast %get3A_168 : vector<1x16xi32> to vector<16xi32>
    %get3A_170 = arith.constant 1 : i32
    %get3A_171 = arith.index_cast %get3A_170 : i32 to index
    %get3A_172 = arith.constant 80 : index
    %get3A_173 = tpu.vector_load %arg5[%get3A_171, %get3A_172] {strides = array<i32>} : memref<8x128xi32, #tpu.memory_space<vmem>>, vector<1x16xi32>,
    %get3A_174 = vector.shape_cast %get3A_173 : vector<1x16xi32> to vector<16xi32>
    %mul3A_175 = arith.constant 1000 : i32
    %mul3A_176 = vector.broadcast %mul3A_175 : i32 to vector<16xi32>
    %mul3A_177 = arith.muli %get3A_169, %mul3A_176 : vector<16xi32>
    %add3A_178 = arith.addi %mul3A_177, %get3A_174 : vector<16xi32>
    %swap3A_179 = arith.constant 0 : i32
    %swap3A_180 = arith.index_cast %swap3A_179 : i32 to index
    %swap3A_181 = arith.constant 80 : index
    %swap3A_182 = tpu.vector_load %arg6[%swap3A_180, %swap3A_181] {strides = array<i32>} : memref<4x128xi32, #tpu.memory_space<vmem>>, vector<1x16xi32>,
    %swap3A_183 = vector.shape_cast %swap3A_182 : vector<1x16xi32> to vector<16xi32>
    %swap3A_184 = vector.shape_cast %add3A_178 : vector<16xi32> to vector<1x16xi32>
    tpu.vector_store %arg6[%swap3A_180, %swap3A_181], %swap3A_184 {strides = array<i32>} : memref<4x128xi32, #tpu.memory_space<vmem>>, vector<1x16xi32>,
    %get3A_185 = arith.constant 0 : i32
    %get3A_186 = arith.index_cast %get3A_185 : i32 to index
    %get3A_187 = arith.constant 96 : index
    %get3A_188 = tpu.vector_load %arg5[%get3A_186, %get3A_187] {strides = array<i32>} : memref<8x128xi32, #tpu.memory_space<vmem>>, vector<1x16xi32>,
    %get3A_189 = vector.shape_cast %get3A_188 : vector<1x16xi32> to vector<16xi32>
    %get3A_190 = arith.constant 1 : i32
    %get3A_191 = arith.index_cast %get3A_190 : i32 to index
    %get3A_192 = arith.constant 96 : index
    %get3A_193 = tpu.vector_load %arg5[%get3A_191, %get3A_192] {strides = array<i32>} : memref<8x128xi32, #tpu.memory_space<vmem>>, vector<1x16xi32>,
    %get3A_194 = vector.shape_cast %get3A_193 : vector<1x16xi32> to vector<16xi32>
    %mul3A_195 = arith.constant 1000 : i32
    %mul3A_196 = vector.broadcast %mul3A_195 : i32 to vector<16xi32>
    %mul3A_197 = arith.muli %get3A_189, %mul3A_196 : vector<16xi32>
    %add3A_198 = arith.addi %mul3A_197, %get3A_194 : vector<16xi32>
    %swap3A_199 = arith.constant 0 : i32
    %swap3A_200 = arith.index_cast %swap3A_199 : i32 to index
    %swap3A_201 = arith.constant 96 : index
    %swap3A_202 = tpu.vector_load %arg6[%swap3A_200, %swap3A_201] {strides = array<i32>} : memref<4x128xi32, #tpu.memory_space<vmem>>, vector<1x16xi32>,
    %swap3A_203 = vector.shape_cast %swap3A_202 : vector<1x16xi32> to vector<16xi32>
    %swap3A_204 = vector.shape_cast %add3A_198 : vector<16xi32> to vector<1x16xi32>
    tpu.vector_store %arg6[%swap3A_200, %swap3A_201], %swap3A_204 {strides = array<i32>} : memref<4x128xi32, #tpu.memory_space<vmem>>, vector<1x16xi32>,
    %get3A_205 = arith.constant 0 : i32
    %get3A_206 = arith.index_cast %get3A_205 : i32 to index
    %get3A_207 = arith.constant 112 : index
    %get3A_208 = tpu.vector_load %arg5[%get3A_206, %get3A_207] {strides = array<i32>} : memref<8x128xi32, #tpu.memory_space<vmem>>, vector<1x16xi32>,
    %get3A_209 = vector.shape_cast %get3A_208 : vector<1x16xi32> to vector<16xi32>
    %get3A_210 = arith.constant 1 : i32
    %get3A_211 = arith.index_cast %get3A_210 : i32 to index
    %get3A_212 = arith.constant 112 : index
    %get3A_213 = tpu.vector_load %arg5[%get3A_211, %get3A_212] {strides = array<i32>} : memref<8x128xi32, #tpu.memory_space<vmem>>, vector<1x16xi32>,
    %get3A_214 = vector.shape_cast %get3A_213 : vector<1x16xi32> to vector<16xi32>
    %mul3A_215 = arith.constant 1000 : i32
    %mul3A_216 = vector.broadcast %mul3A_215 : i32 to vector<16xi32>
    %mul3A_217 = arith.muli %get3A_209, %mul3A_216 : vector<16xi32>
    %add3A_218 = arith.addi %mul3A_217, %get3A_214 : vector<16xi32>
    %swap3A_219 = arith.constant 0 : i32
    %swap3A_220 = arith.index_cast %swap3A_219 : i32 to index
    %swap3A_221 = arith.constant 112 : index
    %swap3A_222 = tpu.vector_load %arg6[%swap3A_220, %swap3A_221] {strides = array<i32>} : memref<4x128xi32, #tpu.memory_space<vmem>>, vector<1x16xi32>,
    %swap3A_223 = vector.shape_cast %swap3A_222 : vector<1x16xi32> to vector<16xi32>
    %swap3A_224 = vector.shape_cast %add3A_218 : vector<16xi32> to vector<1x16xi32>
    tpu.vector_store %arg6[%swap3A_220, %swap3A_221], %swap3A_224 {strides = array<i32>} : memref<4x128xi32, #tpu.memory_space<vmem>>, vector<1x16xi32>,
    %dma_start3A_225 = arith.constant 0 : i32
    %dma_start3A_226 = arith.constant 0 : i32
    %dma_start3A_227 = tpu.memref_slice %arg7[%dma_start3A_226] : memref<512xf32, #tpu.memory_space<vmem>> -> memref<128xf32, #tpu.memory_space<vmem>>
    %dma_start3A_228 = arith.constant 0 : i32
    %dma_start3A_229 = tpu.memref_slice %arg6[%dma_start3A_225, %dma_start3A_228] : memref<4x128xi32, #tpu.memory_space<vmem>> -> memref<1x128xi32, #tpu.memory_space<vmem>>
    %dma_start3A_230 = tpu.memref_squeeze %dma_start3A_229 : memref<1x128xi32, #tpu.memory_space<vmem>> -> memref<128xi32, #tpu.memory_space<vmem>>
    %dma_start3A_231 = arith.constant 0 : i32
    %dma_start3A_232 = tpu.memref_slice %arg3[%dma_start3A_231] : memref<1000448xf32, #tpu.memory_space<hbm>> -> memref<1000448xf32, #tpu.memory_space<hbm>>
    tpu.enqueue_indirect_dma source(%dma_start3A_232 : memref<1000448xf32, #tpu.memory_space<hbm>>) target(%dma_start3A_227 : memref<128xf32, #tpu.memory_space<vmem>>) offsets(%dma_start3A_230 : memref<128xi32, #tpu.memory_space<vmem>>) semaphore(%arg9 : memref<!tpu.dma_semaphore, #tpu.memory_space<semaphore_mem>>)
    %dma_wait3A_233 = arith.constant 2 : i32
    %dma_wait3A_234 = arith.constant 0 : i32
    %dma_wait3A_235 = tpu.memref_slice %arg5[%dma_wait3A_233, %dma_wait3A_234] : memref<8x128xi32, #tpu.memory_space<vmem>> -> memref<2x128xi32, #tpu.memory_space<vmem>>
    %dma_wait3A_236 = arith.constant 0 : i32
    %dma_wait3A_237 = tpu.memref_slice %arg2[%add3A_19, %dma_wait3A_236] : memref<256x128xi32, #tpu.memory_space<hbm>> -> memref<2x128xi32, #tpu.memory_space<hbm>>
    %dma_wait3A_238 = arith.constant 2 : i32
    %dma_wait3A_239 = arith.constant 0 : i32
    %dma_wait3A_240 = tpu.memref_slice %arg5[%dma_wait3A_238, %dma_wait3A_239] : memref<8x128xi32, #tpu.memory_space<vmem>> -> memref<2x128xi32, #tpu.memory_space<vmem>>
    %dma_wait3A_241 = arith.constant 0 : i32
    %dma_wait3A_242 = tpu.memref_slice %arg2[%add3A_19, %dma_wait3A_241] : memref<256x128xi32, #tpu.memory_space<hbm>> -> memref<2x128xi32, #tpu.memory_space<hbm>>
    tpu.wait_dma2 semaphore(%arg8 : memref<!tpu.dma_semaphore, #tpu.memory_space<semaphore_mem>>) src(%dma_wait3A_242 : memref<2x128xi32, #tpu.memory_space<hbm>>) dst(%dma_wait3A_240 : memref<2x128xi32, #tpu.memory_space<vmem>>)
    %get3A_243 = arith.constant 2 : i32
    %get3A_244 = arith.index_cast %get3A_243 : i32 to index
    %get3A_245 = arith.constant 0 : index
    %get3A_246 = tpu.vector_load %arg5[%get3A_244, %get3A_245] {strides = array<i32>} : memref<8x128xi32, #tpu.memory_space<vmem>>, vector<1x16xi32>,
    %get3A_247 = vector.shape_cast %get3A_246 : vector<1x16xi32> to vector<16xi32>
    %get3A_248 = arith.constant 3 : i32
    %get3A_249 = arith.index_cast %get3A_248 : i32 to index
    %get3A_250 = arith.constant 0 : index
    %get3A_251 = tpu.vector_load %arg5[%get3A_249, %get3A_250] {strides = array<i32>} : memref<8x128xi32, #tpu.memory_space<vmem>>, vector<1x16xi32>,
    %get3A_252 = vector.shape_cast %get3A_251 : vector<1x16xi32> to vector<16xi32>
    %mul3A_253 = arith.constant 1000 : i32
    %mul3A_254 = vector.broadcast %mul3A_253 : i32 to vector<16xi32>
    %mul3A_255 = arith.muli %get3A_247, %mul3A_254 : vector<16xi32>
    %add3A_256 = arith.addi %mul3A_255, %get3A_252 : vector<16xi32>
    %swap3A_257 = arith.constant 1 : i32
    %swap3A_258 = arith.index_cast %swap3A_257 : i32 to index
    %swap3A_259 = arith.constant 0 : index
    %swap3A_260 = tpu.vector_load %arg6[%swap3A_258, %swap3A_259] {strides = array<i32>} : memref<4x128xi32, #tpu.memory_space<vmem>>, vector<1x16xi32>,
    %swap3A_261 = vector.shape_cast %swap3A_260 : vector<1x16xi32> to vector<16xi32>
    %swap3A_262 = vector.shape_cast %add3A_256 : vector<16xi32> to vector<1x16xi32>
    tpu.vector_store %arg6[%swap3A_258, %swap3A_259], %swap3A_262 {strides = array<i32>} : memref<4x128xi32, #tpu.memory_space<vmem>>, vector<1x16xi32>,
    %get3A_263 = arith.constant 2 : i32
    %get3A_264 = arith.index_cast %get3A_263 : i32 to index
    %get3A_265 = arith.constant 16 : index
    %get3A_266 = tpu.vector_load %arg5[%get3A_264, %get3A_265] {strides = array<i32>} : memref<8x128xi32, #tpu.memory_space<vmem>>, vector<1x16xi32>,
    %get3A_267 = vector.shape_cast %get3A_266 : vector<1x16xi32> to vector<16xi32>
    %get3A_268 = arith.constant 3 : i32
    %get3A_269 = arith.index_cast %get3A_268 : i32 to index
    %get3A_270 = arith.constant 16 : index
    %get3A_271 = tpu.vector_load %arg5[%get3A_269, %get3A_270] {strides = array<i32>} : memref<8x128xi32, #tpu.memory_space<vmem>>, vector<1x16xi32>,
    %get3A_272 = vector.shape_cast %get3A_271 : vector<1x16xi32> to vector<16xi32>
    %mul3A_273 = arith.constant 1000 : i32
    %mul3A_274 = vector.broadcast %mul3A_273 : i32 to vector<16xi32>
    %mul3A_275 = arith.muli %get3A_267, %mul3A_274 : vector<16xi32>
    %add3A_276 = arith.addi %mul3A_275, %get3A_272 : vector<16xi32>
    %swap3A_277 = arith.constant 1 : i32
    %swap3A_278 = arith.index_cast %swap3A_277 : i32 to index
    %swap3A_279 = arith.constant 16 : index
    %swap3A_280 = tpu.vector_load %arg6[%swap3A_278, %swap3A_279] {strides = array<i32>} : memref<4x128xi32, #tpu.memory_space<vmem>>, vector<1x16xi32>,
    %swap3A_281 = vector.shape_cast %swap3A_280 : vector<1x16xi32> to vector<16xi32>
    %swap3A_282 = vector.shape_cast %add3A_276 : vector<16xi32> to vector<1x16xi32>
    tpu.vector_store %arg6[%swap3A_278, %swap3A_279], %swap3A_282 {strides = array<i32>} : memref<4x128xi32, #tpu.memory_space<vmem>>, vector<1x16xi32>,
    %get3A_283 = arith.constant 2 : i32
    %get3A_284 = arith.index_cast %get3A_283 : i32 to index
    %get3A_285 = arith.constant 32 : index
    %get3A_286 = tpu.vector_load %arg5[%get3A_284, %get3A_285] {strides = array<i32>} : memref<8x128xi32, #tpu.memory_space<vmem>>, vector<1x16xi32>,
    %get3A_287 = vector.shape_cast %get3A_286 : vector<1x16xi32> to vector<16xi32>
    %get3A_288 = arith.constant 3 : i32
    %get3A_289 = arith.index_cast %get3A_288 : i32 to index
    %get3A_290 = arith.constant 32 : index
    %get3A_291 = tpu.vector_load %arg5[%get3A_289, %get3A_290] {strides = array<i32>} : memref<8x128xi32, #tpu.memory_space<vmem>>, vector<1x16xi32>,
    %get3A_292 = vector.shape_cast %get3A_291 : vector<1x16xi32> to vector<16xi32>
    %mul3A_293 = arith.constant 1000 : i32
    %mul3A_294 = vector.broadcast %mul3A_293 : i32 to vector<16xi32>
    %mul3A_295 = arith.muli %get3A_287, %mul3A_294 : vector<16xi32>
    %add3A_296 = arith.addi %mul3A_295, %get3A_292 : vector<16xi32>
    %swap3A_297 = arith.constant 1 : i32
    %swap3A_298 = arith.index_cast %swap3A_297 : i32 to index
    %swap3A_299 = arith.constant 32 : index
    %swap3A_300 = tpu.vector_load %arg6[%swap3A_298, %swap3A_299] {strides = array<i32>} : memref<4x128xi32, #tpu.memory_space<vmem>>, vector<1x16xi32>,
    %swap3A_301 = vector.shape_cast %swap3A_300 : vector<1x16xi32> to vector<16xi32>
    %swap3A_302 = vector.shape_cast %add3A_296 : vector<16xi32> to vector<1x16xi32>
    tpu.vector_store %arg6[%swap3A_298, %swap3A_299], %swap3A_302 {strides = array<i32>} : memref<4x128xi32, #tpu.memory_space<vmem>>, vector<1x16xi32>,
    %get3A_303 = arith.constant 2 : i32
    %get3A_304 = arith.index_cast %get3A_303 : i32 to index
    %get3A_305 = arith.constant 48 : index
    %get3A_306 = tpu.vector_load %arg5[%get3A_304, %get3A_305] {strides = array<i32>} : memref<8x128xi32, #tpu.memory_space<vmem>>, vector<1x16xi32>,
    %get3A_307 = vector.shape_cast %get3A_306 : vector<1x16xi32> to vector<16xi32>
    %get3A_308 = arith.constant 3 : i32
    %get3A_309 = arith.index_cast %get3A_308 : i32 to index
    %get3A_310 = arith.constant 48 : index
    %get3A_311 = tpu.vector_load %arg5[%get3A_309, %get3A_310] {strides = array<i32>} : memref<8x128xi32, #tpu.memory_space<vmem>>, vector<1x16xi32>,
    %get3A_312 = vector.shape_cast %get3A_311 : vector<1x16xi32> to vector<16xi32>
    %mul3A_313 = arith.constant 1000 : i32
    %mul3A_314 = vector.broadcast %mul3A_313 : i32 to vector<16xi32>
    %mul3A_315 = arith.muli %get3A_307, %mul3A_314 : vector<16xi32>
    %add3A_316 = arith.addi %mul3A_315, %get3A_312 : vector<16xi32>
    %swap3A_317 = arith.constant 1 : i32
    %swap3A_318 = arith.index_cast %swap3A_317 : i32 to index
    %swap3A_319 = arith.constant 48 : index
    %swap3A_320 = tpu.vector_load %arg6[%swap3A_318, %swap3A_319] {strides = array<i32>} : memref<4x128xi32, #tpu.memory_space<vmem>>, vector<1x16xi32>,
    %swap3A_321 = vector.shape_cast %swap3A_320 : vector<1x16xi32> to vector<16xi32>
    %swap3A_322 = vector.shape_cast %add3A_316 : vector<16xi32> to vector<1x16xi32>
    tpu.vector_store %arg6[%swap3A_318, %swap3A_319], %swap3A_322 {strides = array<i32>} : memref<4x128xi32, #tpu.memory_space<vmem>>, vector<1x16xi32>,
    %get3A_323 = arith.constant 2 : i32
    %get3A_324 = arith.index_cast %get3A_323 : i32 to index
    %get3A_325 = arith.constant 64 : index
    %get3A_326 = tpu.vector_load %arg5[%get3A_324, %get3A_325] {strides = array<i32>} : memref<8x128xi32, #tpu.memory_space<vmem>>, vector<1x16xi32>,
    %get3A_327 = vector.shape_cast %get3A_326 : vector<1x16xi32> to vector<16xi32>
    %get3A_328 = arith.constant 3 : i32
    %get3A_329 = arith.index_cast %get3A_328 : i32 to index
    %get3A_330 = arith.constant 64 : index
    %get3A_331 = tpu.vector_load %arg5[%get3A_329, %get3A_330] {strides = array<i32>} : memref<8x128xi32, #tpu.memory_space<vmem>>, vector<1x16xi32>,
    %get3A_332 = vector.shape_cast %get3A_331 : vector<1x16xi32> to vector<16xi32>
    %mul3A_333 = arith.constant 1000 : i32
    %mul3A_334 = vector.broadcast %mul3A_333 : i32 to vector<16xi32>
    %mul3A_335 = arith.muli %get3A_327, %mul3A_334 : vector<16xi32>
    %add3A_336 = arith.addi %mul3A_335, %get3A_332 : vector<16xi32>
    %swap3A_337 = arith.constant 1 : i32
    %swap3A_338 = arith.index_cast %swap3A_337 : i32 to index
    %swap3A_339 = arith.constant 64 : index
    %swap3A_340 = tpu.vector_load %arg6[%swap3A_338, %swap3A_339] {strides = array<i32>} : memref<4x128xi32, #tpu.memory_space<vmem>>, vector<1x16xi32>,
    %swap3A_341 = vector.shape_cast %swap3A_340 : vector<1x16xi32> to vector<16xi32>
    %swap3A_342 = vector.shape_cast %add3A_336 : vector<16xi32> to vector<1x16xi32>
    tpu.vector_store %arg6[%swap3A_338, %swap3A_339], %swap3A_342 {strides = array<i32>} : memref<4x128xi32, #tpu.memory_space<vmem>>, vector<1x16xi32>,
    %get3A_343 = arith.constant 2 : i32
    %get3A_344 = arith.index_cast %get3A_343 : i32 to index
    %get3A_345 = arith.constant 80 : index
    %get3A_346 = tpu.vector_load %arg5[%get3A_344, %get3A_345] {strides = array<i32>} : memref<8x128xi32, #tpu.memory_space<vmem>>, vector<1x16xi32>,
    %get3A_347 = vector.shape_cast %get3A_346 : vector<1x16xi32> to vector<16xi32>
    %get3A_348 = arith.constant 3 : i32
    %get3A_349 = arith.index_cast %get3A_348 : i32 to index
    %get3A_350 = arith.constant 80 : index
    %get3A_351 = tpu.vector_load %arg5[%get3A_349, %get3A_350] {strides = array<i32>} : memref<8x128xi32, #tpu.memory_space<vmem>>, vector<1x16xi32>,
    %get3A_352 = vector.shape_cast %get3A_351 : vector<1x16xi32> to vector<16xi32>
    %mul3A_353 = arith.constant 1000 : i32
    %mul3A_354 = vector.broadcast %mul3A_353 : i32 to vector<16xi32>
    %mul3A_355 = arith.muli %get3A_347, %mul3A_354 : vector<16xi32>
    %add3A_356 = arith.addi %mul3A_355, %get3A_352 : vector<16xi32>
    %swap3A_357 = arith.constant 1 : i32
    %swap3A_358 = arith.index_cast %swap3A_357 : i32 to index
    %swap3A_359 = arith.constant 80 : index
    %swap3A_360 = tpu.vector_load %arg6[%swap3A_358, %swap3A_359] {strides = array<i32>} : memref<4x128xi32, #tpu.memory_space<vmem>>, vector<1x16xi32>,
    %swap3A_361 = vector.shape_cast %swap3A_360 : vector<1x16xi32> to vector<16xi32>
    %swap3A_362 = vector.shape_cast %add3A_356 : vector<16xi32> to vector<1x16xi32>
    tpu.vector_store %arg6[%swap3A_358, %swap3A_359], %swap3A_362 {strides = array<i32>} : memref<4x128xi32, #tpu.memory_space<vmem>>, vector<1x16xi32>,
    %get3A_363 = arith.constant 2 : i32
    %get3A_364 = arith.index_cast %get3A_363 : i32 to index
    %get3A_365 = arith.constant 96 : index
    %get3A_366 = tpu.vector_load %arg5[%get3A_364, %get3A_365] {strides = array<i32>} : memref<8x128xi32, #tpu.memory_space<vmem>>, vector<1x16xi32>,
    %get3A_367 = vector.shape_cast %get3A_366 : vector<1x16xi32> to vector<16xi32>
    %get3A_368 = arith.constant 3 : i32
    %get3A_369 = arith.index_cast %get3A_368 : i32 to index
    %get3A_370 = arith.constant 96 : index
    %get3A_371 = tpu.vector_load %arg5[%get3A_369, %get3A_370] {strides = array<i32>} : memref<8x128xi32, #tpu.memory_space<vmem>>, vector<1x16xi32>,
    %get3A_372 = vector.shape_cast %get3A_371 : vector<1x16xi32> to vector<16xi32>
    %mul3A_373 = arith.constant 1000 : i32
    %mul3A_374 = vector.broadcast %mul3A_373 : i32 to vector<16xi32>
    %mul3A_375 = arith.muli %get3A_367, %mul3A_374 : vector<16xi32>
    %add3A_376 = arith.addi %mul3A_375, %get3A_372 : vector<16xi32>
    %swap3A_377 = arith.constant 1 : i32
    %swap3A_378 = arith.index_cast %swap3A_377 : i32 to index
    %swap3A_379 = arith.constant 96 : index
    %swap3A_380 = tpu.vector_load %arg6[%swap3A_378, %swap3A_379] {strides = array<i32>} : memref<4x128xi32, #tpu.memory_space<vmem>>, vector<1x16xi32>,
    %swap3A_381 = vector.shape_cast %swap3A_380 : vector<1x16xi32> to vector<16xi32>
    %swap3A_382 = vector.shape_cast %add3A_376 : vector<16xi32> to vector<1x16xi32>
    tpu.vector_store %arg6[%swap3A_378, %swap3A_379], %swap3A_382 {strides = array<i32>} : memref<4x128xi32, #tpu.memory_space<vmem>>, vector<1x16xi32>,
    %get3A_383 = arith.constant 2 : i32
    %get3A_384 = arith.index_cast %get3A_383 : i32 to index
    %get3A_385 = arith.constant 112 : index
    %get3A_386 = tpu.vector_load %arg5[%get3A_384, %get3A_385] {strides = array<i32>} : memref<8x128xi32, #tpu.memory_space<vmem>>, vector<1x16xi32>,
    %get3A_387 = vector.shape_cast %get3A_386 : vector<1x16xi32> to vector<16xi32>
    %get3A_388 = arith.constant 3 : i32
    %get3A_389 = arith.index_cast %get3A_388 : i32 to index
    %get3A_390 = arith.constant 112 : index
    %get3A_391 = tpu.vector_load %arg5[%get3A_389, %get3A_390] {strides = array<i32>} : memref<8x128xi32, #tpu.memory_space<vmem>>, vector<1x16xi32>,
    %get3A_392 = vector.shape_cast %get3A_391 : vector<1x16xi32> to vector<16xi32>
    %mul3A_393 = arith.constant 1000 : i32
    %mul3A_394 = vector.broadcast %mul3A_393 : i32 to vector<16xi32>
    %mul3A_395 = arith.muli %get3A_387, %mul3A_394 : vector<16xi32>
    %add3A_396 = arith.addi %mul3A_395, %get3A_392 : vector<16xi32>
    %swap3A_397 = arith.constant 1 : i32
    %swap3A_398 = arith.index_cast %swap3A_397 : i32 to index
    %swap3A_399 = arith.constant 112 : index
    %swap3A_400 = tpu.vector_load %arg6[%swap3A_398, %swap3A_399] {strides = array<i32>} : memref<4x128xi32, #tpu.memory_space<vmem>>, vector<1x16xi32>,
    %swap3A_401 = vector.shape_cast %swap3A_400 : vector<1x16xi32> to vector<16xi32>
    %swap3A_402 = vector.shape_cast %add3A_396 : vector<16xi32> to vector<1x16xi32>
    tpu.vector_store %arg6[%swap3A_398, %swap3A_399], %swap3A_402 {strides = array<i32>} : memref<4x128xi32, #tpu.memory_space<vmem>>, vector<1x16xi32>,
    %dma_start3A_403 = arith.constant 1 : i32
    %dma_start3A_404 = arith.constant 128 : i32
    %dma_start3A_405 = tpu.memref_slice %arg7[%dma_start3A_404] : memref<512xf32, #tpu.memory_space<vmem>> -> memref<128xf32, #tpu.memory_space<vmem>>
    %dma_start3A_406 = arith.constant 0 : i32
    %dma_start3A_407 = tpu.memref_slice %arg6[%dma_start3A_403, %dma_start3A_406] : memref<4x128xi32, #tpu.memory_space<vmem>> -> memref<1x128xi32, #tpu.memory_space<vmem>>
    %dma_start3A_408 = tpu.memref_squeeze %dma_start3A_407 : memref<1x128xi32, #tpu.memory_space<vmem>> -> memref<128xi32, #tpu.memory_space<vmem>>
    %dma_start3A_409 = arith.constant 0 : i32
    %dma_start3A_410 = tpu.memref_slice %arg3[%dma_start3A_409] : memref<1000448xf32, #tpu.memory_space<hbm>> -> memref<1000448xf32, #tpu.memory_space<hbm>>
    tpu.enqueue_indirect_dma source(%dma_start3A_410 : memref<1000448xf32, #tpu.memory_space<hbm>>) target(%dma_start3A_405 : memref<128xf32, #tpu.memory_space<vmem>>) offsets(%dma_start3A_408 : memref<128xi32, #tpu.memory_space<vmem>>) semaphore(%arg9 : memref<!tpu.dma_semaphore, #tpu.memory_space<semaphore_mem>>)
    %dma_wait3A_411 = arith.constant 4 : i32
    %dma_wait3A_412 = arith.constant 0 : i32
    %dma_wait3A_413 = tpu.memref_slice %arg5[%dma_wait3A_411, %dma_wait3A_412] : memref<8x128xi32, #tpu.memory_space<vmem>> -> memref<2x128xi32, #tpu.memory_space<vmem>>
    %dma_wait3A_414 = arith.constant 0 : i32
    %dma_wait3A_415 = tpu.memref_slice %arg2[%add3A_33, %dma_wait3A_414] : memref<256x128xi32, #tpu.memory_space<hbm>> -> memref<2x128xi32, #tpu.memory_space<hbm>>
    %dma_wait3A_416 = arith.constant 4 : i32
    %dma_wait3A_417 = arith.constant 0 : i32
    %dma_wait3A_418 = tpu.memref_slice %arg5[%dma_wait3A_416, %dma_wait3A_417] : memref<8x128xi32, #tpu.memory_space<vmem>> -> memref<2x128xi32, #tpu.memory_space<vmem>>
    %dma_wait3A_419 = arith.constant 0 : i32
    %dma_wait3A_420 = tpu.memref_slice %arg2[%add3A_33, %dma_wait3A_419] : memref<256x128xi32, #tpu.memory_space<hbm>> -> memref<2x128xi32, #tpu.memory_space<hbm>>
    tpu.wait_dma2 semaphore(%arg8 : memref<!tpu.dma_semaphore, #tpu.memory_space<semaphore_mem>>) src(%dma_wait3A_420 : memref<2x128xi32, #tpu.memory_space<hbm>>) dst(%dma_wait3A_418 : memref<2x128xi32, #tpu.memory_space<vmem>>)
    %get3A_421 = arith.constant 4 : i32
    %get3A_422 = arith.index_cast %get3A_421 : i32 to index
    %get3A_423 = arith.constant 0 : index
    %get3A_424 = tpu.vector_load %arg5[%get3A_422, %get3A_423] {strides = array<i32>} : memref<8x128xi32, #tpu.memory_space<vmem>>, vector<1x16xi32>,
    %get3A_425 = vector.shape_cast %get3A_424 : vector<1x16xi32> to vector<16xi32>
    %get3A_426 = arith.constant 5 : i32
    %get3A_427 = arith.index_cast %get3A_426 : i32 to index
    %get3A_428 = arith.constant 0 : index
    %get3A_429 = tpu.vector_load %arg5[%get3A_427, %get3A_428] {strides = array<i32>} : memref<8x128xi32, #tpu.memory_space<vmem>>, vector<1x16xi32>,
    %get3A_430 = vector.shape_cast %get3A_429 : vector<1x16xi32> to vector<16xi32>
    %mul3A_431 = arith.constant 1000 : i32
    %mul3A_432 = vector.broadcast %mul3A_431 : i32 to vector<16xi32>
    %mul3A_433 = arith.muli %get3A_425, %mul3A_432 : vector<16xi32>
    %add3A_434 = arith.addi %mul3A_433, %get3A_430 : vector<16xi32>
    %swap3A_435 = arith.constant 2 : i32
    %swap3A_436 = arith.index_cast %swap3A_435 : i32 to index
    %swap3A_437 = arith.constant 0 : index
    %swap3A_438 = tpu.vector_load %arg6[%swap3A_436, %swap3A_437] {strides = array<i32>} : memref<4x128xi32, #tpu.memory_space<vmem>>, vector<1x16xi32>,
    %swap3A_439 = vector.shape_cast %swap3A_438 : vector<1x16xi32> to vector<16xi32>
    %swap3A_440 = vector.shape_cast %add3A_434 : vector<16xi32> to vector<1x16xi32>
    tpu.vector_store %arg6[%swap3A_436, %swap3A_437], %swap3A_440 {strides = array<i32>} : memref<4x128xi32, #tpu.memory_space<vmem>>, vector<1x16xi32>,
    %get3A_441 = arith.constant 4 : i32
    %get3A_442 = arith.index_cast %get3A_441 : i32 to index
    %get3A_443 = arith.constant 16 : index
    %get3A_444 = tpu.vector_load %arg5[%get3A_442, %get3A_443] {strides = array<i32>} : memref<8x128xi32, #tpu.memory_space<vmem>>, vector<1x16xi32>,
    %get3A_445 = vector.shape_cast %get3A_444 : vector<1x16xi32> to vector<16xi32>
    %get3A_446 = arith.constant 5 : i32
    %get3A_447 = arith.index_cast %get3A_446 : i32 to index
    %get3A_448 = arith.constant 16 : index
    %get3A_449 = tpu.vector_load %arg5[%get3A_447, %get3A_448] {strides = array<i32>} : memref<8x128xi32, #tpu.memory_space<vmem>>, vector<1x16xi32>,
    %get3A_450 = vector.shape_cast %get3A_449 : vector<1x16xi32> to vector<16xi32>
    %mul3A_451 = arith.constant 1000 : i32
    %mul3A_452 = vector.broadcast %mul3A_451 : i32 to vector<16xi32>
    %mul3A_453 = arith.muli %get3A_445, %mul3A_452 : vector<16xi32>
    %add3A_454 = arith.addi %mul3A_453, %get3A_450 : vector<16xi32>
    %swap3A_455 = arith.constant 2 : i32
    %swap3A_456 = arith.index_cast %swap3A_455 : i32 to index
    %swap3A_457 = arith.constant 16 : index
    %swap3A_458 = tpu.vector_load %arg6[%swap3A_456, %swap3A_457] {strides = array<i32>} : memref<4x128xi32, #tpu.memory_space<vmem>>, vector<1x16xi32>,
    %swap3A_459 = vector.shape_cast %swap3A_458 : vector<1x16xi32> to vector<16xi32>
    %swap3A_460 = vector.shape_cast %add3A_454 : vector<16xi32> to vector<1x16xi32>
    tpu.vector_store %arg6[%swap3A_456, %swap3A_457], %swap3A_460 {strides = array<i32>} : memref<4x128xi32, #tpu.memory_space<vmem>>, vector<1x16xi32>,
    %get3A_461 = arith.constant 4 : i32
    %get3A_462 = arith.index_cast %get3A_461 : i32 to index
    %get3A_463 = arith.constant 32 : index
    %get3A_464 = tpu.vector_load %arg5[%get3A_462, %get3A_463] {strides = array<i32>} : memref<8x128xi32, #tpu.memory_space<vmem>>, vector<1x16xi32>,
    %get3A_465 = vector.shape_cast %get3A_464 : vector<1x16xi32> to vector<16xi32>
    %get3A_466 = arith.constant 5 : i32
    %get3A_467 = arith.index_cast %get3A_466 : i32 to index
    %get3A_468 = arith.constant 32 : index
    %get3A_469 = tpu.vector_load %arg5[%get3A_467, %get3A_468] {strides = array<i32>} : memref<8x128xi32, #tpu.memory_space<vmem>>, vector<1x16xi32>,
    %get3A_470 = vector.shape_cast %get3A_469 : vector<1x16xi32> to vector<16xi32>
    %mul3A_471 = arith.constant 1000 : i32
    %mul3A_472 = vector.broadcast %mul3A_471 : i32 to vector<16xi32>
    %mul3A_473 = arith.muli %get3A_465, %mul3A_472 : vector<16xi32>
    %add3A_474 = arith.addi %mul3A_473, %get3A_470 : vector<16xi32>
    %swap3A_475 = arith.constant 2 : i32
    %swap3A_476 = arith.index_cast %swap3A_475 : i32 to index
    %swap3A_477 = arith.constant 32 : index
    %swap3A_478 = tpu.vector_load %arg6[%swap3A_476, %swap3A_477] {strides = array<i32>} : memref<4x128xi32, #tpu.memory_space<vmem>>, vector<1x16xi32>,
    %swap3A_479 = vector.shape_cast %swap3A_478 : vector<1x16xi32> to vector<16xi32>
    %swap3A_480 = vector.shape_cast %add3A_474 : vector<16xi32> to vector<1x16xi32>
    tpu.vector_store %arg6[%swap3A_476, %swap3A_477], %swap3A_480 {strides = array<i32>} : memref<4x128xi32, #tpu.memory_space<vmem>>, vector<1x16xi32>,
    %get3A_481 = arith.constant 4 : i32
    %get3A_482 = arith.index_cast %get3A_481 : i32 to index
    %get3A_483 = arith.constant 48 : index
    %get3A_484 = tpu.vector_load %arg5[%get3A_482, %get3A_483] {strides = array<i32>} : memref<8x128xi32, #tpu.memory_space<vmem>>, vector<1x16xi32>,
    %get3A_485 = vector.shape_cast %get3A_484 : vector<1x16xi32> to vector<16xi32>
    %get3A_486 = arith.constant 5 : i32
    %get3A_487 = arith.index_cast %get3A_486 : i32 to index
    %get3A_488 = arith.constant 48 : index
    %get3A_489 = tpu.vector_load %arg5[%get3A_487, %get3A_488] {strides = array<i32>} : memref<8x128xi32, #tpu.memory_space<vmem>>, vector<1x16xi32>,
    %get3A_490 = vector.shape_cast %get3A_489 : vector<1x16xi32> to vector<16xi32>
    %mul3A_491 = arith.constant 1000 : i32
    %mul3A_492 = vector.broadcast %mul3A_491 : i32 to vector<16xi32>
    %mul3A_493 = arith.muli %get3A_485, %mul3A_492 : vector<16xi32>
    %add3A_494 = arith.addi %mul3A_493, %get3A_490 : vector<16xi32>
    %swap3A_495 = arith.constant 2 : i32
    %swap3A_496 = arith.index_cast %swap3A_495 : i32 to index
    %swap3A_497 = arith.constant 48 : index
    %swap3A_498 = tpu.vector_load %arg6[%swap3A_496, %swap3A_497] {strides = array<i32>} : memref<4x128xi32, #tpu.memory_space<vmem>>, vector<1x16xi32>,
    %swap3A_499 = vector.shape_cast %swap3A_498 : vector<1x16xi32> to vector<16xi32>
    %swap3A_500 = vector.shape_cast %add3A_494 : vector<16xi32> to vector<1x16xi32>
    tpu.vector_store %arg6[%swap3A_496, %swap3A_497], %swap3A_500 {strides = array<i32>} : memref<4x128xi32, #tpu.memory_space<vmem>>, vector<1x16xi32>,
    %get3A_501 = arith.constant 4 : i32
    %get3A_502 = arith.index_cast %get3A_501 : i32 to index
    %get3A_503 = arith.constant 64 : index
    %get3A_504 = tpu.vector_load %arg5[%get3A_502, %get3A_503] {strides = array<i32>} : memref<8x128xi32, #tpu.memory_space<vmem>>, vector<1x16xi32>,
    %get3A_505 = vector.shape_cast %get3A_504 : vector<1x16xi32> to vector<16xi32>
    %get3A_506 = arith.constant 5 : i32
    %get3A_507 = arith.index_cast %get3A_506 : i32 to index
    %get3A_508 = arith.constant 64 : index
    %get3A_509 = tpu.vector_load %arg5[%get3A_507, %get3A_508] {strides = array<i32>} : memref<8x128xi32, #tpu.memory_space<vmem>>, vector<1x16xi32>,
    %get3A_510 = vector.shape_cast %get3A_509 : vector<1x16xi32> to vector<16xi32>
    %mul3A_511 = arith.constant 1000 : i32
    %mul3A_512 = vector.broadcast %mul3A_511 : i32 to vector<16xi32>
    %mul3A_513 = arith.muli %get3A_505, %mul3A_512 : vector<16xi32>
    %add3A_514 = arith.addi %mul3A_513, %get3A_510 : vector<16xi32>
    %swap3A_515 = arith.constant 2 : i32
    %swap3A_516 = arith.index_cast %swap3A_515 : i32 to index
    %swap3A_517 = arith.constant 64 : index
    %swap3A_518 = tpu.vector_load %arg6[%swap3A_516, %swap3A_517] {strides = array<i32>} : memref<4x128xi32, #tpu.memory_space<vmem>>, vector<1x16xi32>,
    %swap3A_519 = vector.shape_cast %swap3A_518 : vector<1x16xi32> to vector<16xi32>
    %swap3A_520 = vector.shape_cast %add3A_514 : vector<16xi32> to vector<1x16xi32>
    tpu.vector_store %arg6[%swap3A_516, %swap3A_517], %swap3A_520 {strides = array<i32>} : memref<4x128xi32, #tpu.memory_space<vmem>>, vector<1x16xi32>,
    %get3A_521 = arith.constant 4 : i32
    %get3A_522 = arith.index_cast %get3A_521 : i32 to index
    %get3A_523 = arith.constant 80 : index
    %get3A_524 = tpu.vector_load %arg5[%get3A_522, %get3A_523] {strides = array<i32>} : memref<8x128xi32, #tpu.memory_space<vmem>>, vector<1x16xi32>,
    %get3A_525 = vector.shape_cast %get3A_524 : vector<1x16xi32> to vector<16xi32>
    %get3A_526 = arith.constant 5 : i32
    %get3A_527 = arith.index_cast %get3A_526 : i32 to index
    %get3A_528 = arith.constant 80 : index
    %get3A_529 = tpu.vector_load %arg5[%get3A_527, %get3A_528] {strides = array<i32>} : memref<8x128xi32, #tpu.memory_space<vmem>>, vector<1x16xi32>,
    %get3A_530 = vector.shape_cast %get3A_529 : vector<1x16xi32> to vector<16xi32>
    %mul3A_531 = arith.constant 1000 : i32
    %mul3A_532 = vector.broadcast %mul3A_531 : i32 to vector<16xi32>
    %mul3A_533 = arith.muli %get3A_525, %mul3A_532 : vector<16xi32>
    %add3A_534 = arith.addi %mul3A_533, %get3A_530 : vector<16xi32>
    %swap3A_535 = arith.constant 2 : i32
    %swap3A_536 = arith.index_cast %swap3A_535 : i32 to index
    %swap3A_537 = arith.constant 80 : index
    %swap3A_538 = tpu.vector_load %arg6[%swap3A_536, %swap3A_537] {strides = array<i32>} : memref<4x128xi32, #tpu.memory_space<vmem>>, vector<1x16xi32>,
    %swap3A_539 = vector.shape_cast %swap3A_538 : vector<1x16xi32> to vector<16xi32>
    %swap3A_540 = vector.shape_cast %add3A_534 : vector<16xi32> to vector<1x16xi32>
    tpu.vector_store %arg6[%swap3A_536, %swap3A_537], %swap3A_540 {strides = array<i32>} : memref<4x128xi32, #tpu.memory_space<vmem>>, vector<1x16xi32>,
    %get3A_541 = arith.constant 4 : i32
    %get3A_542 = arith.index_cast %get3A_541 : i32 to index
    %get3A_543 = arith.constant 96 : index
    %get3A_544 = tpu.vector_load %arg5[%get3A_542, %get3A_543] {strides = array<i32>} : memref<8x128xi32, #tpu.memory_space<vmem>>, vector<1x16xi32>,
    %get3A_545 = vector.shape_cast %get3A_544 : vector<1x16xi32> to vector<16xi32>
    %get3A_546 = arith.constant 5 : i32
    %get3A_547 = arith.index_cast %get3A_546 : i32 to index
    %get3A_548 = arith.constant 96 : index
    %get3A_549 = tpu.vector_load %arg5[%get3A_547, %get3A_548] {strides = array<i32>} : memref<8x128xi32, #tpu.memory_space<vmem>>, vector<1x16xi32>,
    %get3A_550 = vector.shape_cast %get3A_549 : vector<1x16xi32> to vector<16xi32>
    %mul3A_551 = arith.constant 1000 : i32
    %mul3A_552 = vector.broadcast %mul3A_551 : i32 to vector<16xi32>
    %mul3A_553 = arith.muli %get3A_545, %mul3A_552 : vector<16xi32>
    %add3A_554 = arith.addi %mul3A_553, %get3A_550 : vector<16xi32>
    %swap3A_555 = arith.constant 2 : i32
    %swap3A_556 = arith.index_cast %swap3A_555 : i32 to index
    %swap3A_557 = arith.constant 96 : index
    %swap3A_558 = tpu.vector_load %arg6[%swap3A_556, %swap3A_557] {strides = array<i32>} : memref<4x128xi32, #tpu.memory_space<vmem>>, vector<1x16xi32>,
    %swap3A_559 = vector.shape_cast %swap3A_558 : vector<1x16xi32> to vector<16xi32>
    %swap3A_560 = vector.shape_cast %add3A_554 : vector<16xi32> to vector<1x16xi32>
    tpu.vector_store %arg6[%swap3A_556, %swap3A_557], %swap3A_560 {strides = array<i32>} : memref<4x128xi32, #tpu.memory_space<vmem>>, vector<1x16xi32>,
    %get3A_561 = arith.constant 4 : i32
    %get3A_562 = arith.index_cast %get3A_561 : i32 to index
    %get3A_563 = arith.constant 112 : index
    %get3A_564 = tpu.vector_load %arg5[%get3A_562, %get3A_563] {strides = array<i32>} : memref<8x128xi32, #tpu.memory_space<vmem>>, vector<1x16xi32>,
    %get3A_565 = vector.shape_cast %get3A_564 : vector<1x16xi32> to vector<16xi32>
    %get3A_566 = arith.constant 5 : i32
    %get3A_567 = arith.index_cast %get3A_566 : i32 to index
    %get3A_568 = arith.constant 112 : index
    %get3A_569 = tpu.vector_load %arg5[%get3A_567, %get3A_568] {strides = array<i32>} : memref<8x128xi32, #tpu.memory_space<vmem>>, vector<1x16xi32>,
    %get3A_570 = vector.shape_cast %get3A_569 : vector<1x16xi32> to vector<16xi32>
    %mul3A_571 = arith.constant 1000 : i32
    %mul3A_572 = vector.broadcast %mul3A_571 : i32 to vector<16xi32>
    %mul3A_573 = arith.muli %get3A_565, %mul3A_572 : vector<16xi32>
    %add3A_574 = arith.addi %mul3A_573, %get3A_570 : vector<16xi32>
    %swap3A_575 = arith.constant 2 : i32
    %swap3A_576 = arith.index_cast %swap3A_575 : i32 to index
    %swap3A_577 = arith.constant 112 : index
    %swap3A_578 = tpu.vector_load %arg6[%swap3A_576, %swap3A_577] {strides = array<i32>} : memref<4x128xi32, #tpu.memory_space<vmem>>, vector<1x16xi32>,
    %swap3A_579 = vector.shape_cast %swap3A_578 : vector<1x16xi32> to vector<16xi32>
    %swap3A_580 = vector.shape_cast %add3A_574 : vector<16xi32> to vector<1x16xi32>
    tpu.vector_store %arg6[%swap3A_576, %swap3A_577], %swap3A_580 {strides = array<i32>} : memref<4x128xi32, #tpu.memory_space<vmem>>, vector<1x16xi32>,
    %dma_start3A_581 = arith.constant 2 : i32
    %dma_start3A_582 = arith.constant 256 : i32
    %dma_start3A_583 = tpu.memref_slice %arg7[%dma_start3A_582] : memref<512xf32, #tpu.memory_space<vmem>> -> memref<128xf32, #tpu.memory_space<vmem>>
    %dma_start3A_584 = arith.constant 0 : i32
    %dma_start3A_585 = tpu.memref_slice %arg6[%dma_start3A_581, %dma_start3A_584] : memref<4x128xi32, #tpu.memory_space<vmem>> -> memref<1x128xi32, #tpu.memory_space<vmem>>
    %dma_start3A_586 = tpu.memref_squeeze %dma_start3A_585 : memref<1x128xi32, #tpu.memory_space<vmem>> -> memref<128xi32, #tpu.memory_space<vmem>>
    %dma_start3A_587 = arith.constant 0 : i32
    %dma_start3A_588 = tpu.memref_slice %arg3[%dma_start3A_587] : memref<1000448xf32, #tpu.memory_space<hbm>> -> memref<1000448xf32, #tpu.memory_space<hbm>>
    tpu.enqueue_indirect_dma source(%dma_start3A_588 : memref<1000448xf32, #tpu.memory_space<hbm>>) target(%dma_start3A_583 : memref<128xf32, #tpu.memory_space<vmem>>) offsets(%dma_start3A_586 : memref<128xi32, #tpu.memory_space<vmem>>) semaphore(%arg9 : memref<!tpu.dma_semaphore, #tpu.memory_space<semaphore_mem>>)
    %dma_wait3A_589 = arith.constant 6 : i32
    %dma_wait3A_590 = arith.constant 0 : i32
    %dma_wait3A_591 = tpu.memref_slice %arg5[%dma_wait3A_589, %dma_wait3A_590] : memref<8x128xi32, #tpu.memory_space<vmem>> -> memref<2x128xi32, #tpu.memory_space<vmem>>
    %dma_wait3A_592 = arith.constant 0 : i32
    %dma_wait3A_593 = tpu.memref_slice %arg2[%add3A_47, %dma_wait3A_592] : memref<256x128xi32, #tpu.memory_space<hbm>> -> memref<2x128xi32, #tpu.memory_space<hbm>>
    %dma_wait3A_594 = arith.constant 6 : i32
    %dma_wait3A_595 = arith.constant 0 : i32
    %dma_wait3A_596 = tpu.memref_slice %arg5[%dma_wait3A_594, %dma_wait3A_595] : memref<8x128xi32, #tpu.memory_space<vmem>> -> memref<2x128xi32, #tpu.memory_space<vmem>>
    %dma_wait3A_597 = arith.constant 0 : i32
    %dma_wait3A_598 = tpu.memref_slice %arg2[%add3A_47, %dma_wait3A_597] : memref<256x128xi32, #tpu.memory_space<hbm>> -> memref<2x128xi32, #tpu.memory_space<hbm>>
    tpu.wait_dma2 semaphore(%arg8 : memref<!tpu.dma_semaphore, #tpu.memory_space<semaphore_mem>>) src(%dma_wait3A_598 : memref<2x128xi32, #tpu.memory_space<hbm>>) dst(%dma_wait3A_596 : memref<2x128xi32, #tpu.memory_space<vmem>>)
    %get3A_599 = arith.constant 6 : i32
    %get3A_600 = arith.index_cast %get3A_599 : i32 to index
    %get3A_601 = arith.constant 0 : index
    %get3A_602 = tpu.vector_load %arg5[%get3A_600, %get3A_601] {strides = array<i32>} : memref<8x128xi32, #tpu.memory_space<vmem>>, vector<1x16xi32>,
    %get3A_603 = vector.shape_cast %get3A_602 : vector<1x16xi32> to vector<16xi32>
    %get3A_604 = arith.constant 7 : i32
    %get3A_605 = arith.index_cast %get3A_604 : i32 to index
    %get3A_606 = arith.constant 0 : index
    %get3A_607 = tpu.vector_load %arg5[%get3A_605, %get3A_606] {strides = array<i32>} : memref<8x128xi32, #tpu.memory_space<vmem>>, vector<1x16xi32>,
    %get3A_608 = vector.shape_cast %get3A_607 : vector<1x16xi32> to vector<16xi32>
    %mul3A_609 = arith.constant 1000 : i32
    %mul3A_610 = vector.broadcast %mul3A_609 : i32 to vector<16xi32>
    %mul3A_611 = arith.muli %get3A_603, %mul3A_610 : vector<16xi32>
    %add3A_612 = arith.addi %mul3A_611, %get3A_608 : vector<16xi32>
    %swap3A_613 = arith.constant 3 : i32
    %swap3A_614 = arith.index_cast %swap3A_613 : i32 to index
    %swap3A_615 = arith.constant 0 : index
    %swap3A_616 = tpu.vector_load %arg6[%swap3A_614, %swap3A_615] {strides = array<i32>} : memref<4x128xi32, #tpu.memory_space<vmem>>, vector<1x16xi32>,
    %swap3A_617 = vector.shape_cast %swap3A_616 : vector<1x16xi32> to vector<16xi32>
    %swap3A_618 = vector.shape_cast %add3A_612 : vector<16xi32> to vector<1x16xi32>
    tpu.vector_store %arg6[%swap3A_614, %swap3A_615], %swap3A_618 {strides = array<i32>} : memref<4x128xi32, #tpu.memory_space<vmem>>, vector<1x16xi32>,
    %get3A_619 = arith.constant 6 : i32
    %get3A_620 = arith.index_cast %get3A_619 : i32 to index
    %get3A_621 = arith.constant 16 : index
    %get3A_622 = tpu.vector_load %arg5[%get3A_620, %get3A_621] {strides = array<i32>} : memref<8x128xi32, #tpu.memory_space<vmem>>, vector<1x16xi32>,
    %get3A_623 = vector.shape_cast %get3A_622 : vector<1x16xi32> to vector<16xi32>
    %get3A_624 = arith.constant 7 : i32
    %get3A_625 = arith.index_cast %get3A_624 : i32 to index
    %get3A_626 = arith.constant 16 : index
    %get3A_627 = tpu.vector_load %arg5[%get3A_625, %get3A_626] {strides = array<i32>} : memref<8x128xi32, #tpu.memory_space<vmem>>, vector<1x16xi32>,
    %get3A_628 = vector.shape_cast %get3A_627 : vector<1x16xi32> to vector<16xi32>
    %mul3A_629 = arith.constant 1000 : i32
    %mul3A_630 = vector.broadcast %mul3A_629 : i32 to vector<16xi32>
    %mul3A_631 = arith.muli %get3A_623, %mul3A_630 : vector<16xi32>
    %add3A_632 = arith.addi %mul3A_631, %get3A_628 : vector<16xi32>
    %swap3A_633 = arith.constant 3 : i32
    %swap3A_634 = arith.index_cast %swap3A_633 : i32 to index
    %swap3A_635 = arith.constant 16 : index
    %swap3A_636 = tpu.vector_load %arg6[%swap3A_634, %swap3A_635] {strides = array<i32>} : memref<4x128xi32, #tpu.memory_space<vmem>>, vector<1x16xi32>,
    %swap3A_637 = vector.shape_cast %swap3A_636 : vector<1x16xi32> to vector<16xi32>
    %swap3A_638 = vector.shape_cast %add3A_632 : vector<16xi32> to vector<1x16xi32>
    tpu.vector_store %arg6[%swap3A_634, %swap3A_635], %swap3A_638 {strides = array<i32>} : memref<4x128xi32, #tpu.memory_space<vmem>>, vector<1x16xi32>,
    %get3A_639 = arith.constant 6 : i32
    %get3A_640 = arith.index_cast %get3A_639 : i32 to index
    %get3A_641 = arith.constant 32 : index
    %get3A_642 = tpu.vector_load %arg5[%get3A_640, %get3A_641] {strides = array<i32>} : memref<8x128xi32, #tpu.memory_space<vmem>>, vector<1x16xi32>,
    %get3A_643 = vector.shape_cast %get3A_642 : vector<1x16xi32> to vector<16xi32>
    %get3A_644 = arith.constant 7 : i32
    %get3A_645 = arith.index_cast %get3A_644 : i32 to index
    %get3A_646 = arith.constant 32 : index
    %get3A_647 = tpu.vector_load %arg5[%get3A_645, %get3A_646] {strides = array<i32>} : memref<8x128xi32, #tpu.memory_space<vmem>>, vector<1x16xi32>,
    %get3A_648 = vector.shape_cast %get3A_647 : vector<1x16xi32> to vector<16xi32>
    %mul3A_649 = arith.constant 1000 : i32
    %mul3A_650 = vector.broadcast %mul3A_649 : i32 to vector<16xi32>
    %mul3A_651 = arith.muli %get3A_643, %mul3A_650 : vector<16xi32>
    %add3A_652 = arith.addi %mul3A_651, %get3A_648 : vector<16xi32>
    %swap3A_653 = arith.constant 3 : i32
    %swap3A_654 = arith.index_cast %swap3A_653 : i32 to index
    %swap3A_655 = arith.constant 32 : index
    %swap3A_656 = tpu.vector_load %arg6[%swap3A_654, %swap3A_655] {strides = array<i32>} : memref<4x128xi32, #tpu.memory_space<vmem>>, vector<1x16xi32>,
    %swap3A_657 = vector.shape_cast %swap3A_656 : vector<1x16xi32> to vector<16xi32>
    %swap3A_658 = vector.shape_cast %add3A_652 : vector<16xi32> to vector<1x16xi32>
    tpu.vector_store %arg6[%swap3A_654, %swap3A_655], %swap3A_658 {strides = array<i32>} : memref<4x128xi32, #tpu.memory_space<vmem>>, vector<1x16xi32>,
    %get3A_659 = arith.constant 6 : i32
    %get3A_660 = arith.index_cast %get3A_659 : i32 to index
    %get3A_661 = arith.constant 48 : index
    %get3A_662 = tpu.vector_load %arg5[%get3A_660, %get3A_661] {strides = array<i32>} : memref<8x128xi32, #tpu.memory_space<vmem>>, vector<1x16xi32>,
    %get3A_663 = vector.shape_cast %get3A_662 : vector<1x16xi32> to vector<16xi32>
    %get3A_664 = arith.constant 7 : i32
    %get3A_665 = arith.index_cast %get3A_664 : i32 to index
    %get3A_666 = arith.constant 48 : index
    %get3A_667 = tpu.vector_load %arg5[%get3A_665, %get3A_666] {strides = array<i32>} : memref<8x128xi32, #tpu.memory_space<vmem>>, vector<1x16xi32>,
    %get3A_668 = vector.shape_cast %get3A_667 : vector<1x16xi32> to vector<16xi32>
    %mul3A_669 = arith.constant 1000 : i32
    %mul3A_670 = vector.broadcast %mul3A_669 : i32 to vector<16xi32>
    %mul3A_671 = arith.muli %get3A_663, %mul3A_670 : vector<16xi32>
    %add3A_672 = arith.addi %mul3A_671, %get3A_668 : vector<16xi32>
    %swap3A_673 = arith.constant 3 : i32
    %swap3A_674 = arith.index_cast %swap3A_673 : i32 to index
    %swap3A_675 = arith.constant 48 : index
    %swap3A_676 = tpu.vector_load %arg6[%swap3A_674, %swap3A_675] {strides = array<i32>} : memref<4x128xi32, #tpu.memory_space<vmem>>, vector<1x16xi32>,
    %swap3A_677 = vector.shape_cast %swap3A_676 : vector<1x16xi32> to vector<16xi32>
    %swap3A_678 = vector.shape_cast %add3A_672 : vector<16xi32> to vector<1x16xi32>
    tpu.vector_store %arg6[%swap3A_674, %swap3A_675], %swap3A_678 {strides = array<i32>} : memref<4x128xi32, #tpu.memory_space<vmem>>, vector<1x16xi32>,
    %get3A_679 = arith.constant 6 : i32
    %get3A_680 = arith.index_cast %get3A_679 : i32 to index
    %get3A_681 = arith.constant 64 : index
    %get3A_682 = tpu.vector_load %arg5[%get3A_680, %get3A_681] {strides = array<i32>} : memref<8x128xi32, #tpu.memory_space<vmem>>, vector<1x16xi32>,
    %get3A_683 = vector.shape_cast %get3A_682 : vector<1x16xi32> to vector<16xi32>
    %get3A_684 = arith.constant 7 : i32
    %get3A_685 = arith.index_cast %get3A_684 : i32 to index
    %get3A_686 = arith.constant 64 : index
    %get3A_687 = tpu.vector_load %arg5[%get3A_685, %get3A_686] {strides = array<i32>} : memref<8x128xi32, #tpu.memory_space<vmem>>, vector<1x16xi32>,
    %get3A_688 = vector.shape_cast %get3A_687 : vector<1x16xi32> to vector<16xi32>
    %mul3A_689 = arith.constant 1000 : i32
    %mul3A_690 = vector.broadcast %mul3A_689 : i32 to vector<16xi32>
    %mul3A_691 = arith.muli %get3A_683, %mul3A_690 : vector<16xi32>
    %add3A_692 = arith.addi %mul3A_691, %get3A_688 : vector<16xi32>
    %swap3A_693 = arith.constant 3 : i32
    %swap3A_694 = arith.index_cast %swap3A_693 : i32 to index
    %swap3A_695 = arith.constant 64 : index
    %swap3A_696 = tpu.vector_load %arg6[%swap3A_694, %swap3A_695] {strides = array<i32>} : memref<4x128xi32, #tpu.memory_space<vmem>>, vector<1x16xi32>,
    %swap3A_697 = vector.shape_cast %swap3A_696 : vector<1x16xi32> to vector<16xi32>
    %swap3A_698 = vector.shape_cast %add3A_692 : vector<16xi32> to vector<1x16xi32>
    tpu.vector_store %arg6[%swap3A_694, %swap3A_695], %swap3A_698 {strides = array<i32>} : memref<4x128xi32, #tpu.memory_space<vmem>>, vector<1x16xi32>,
    %get3A_699 = arith.constant 6 : i32
    %get3A_700 = arith.index_cast %get3A_699 : i32 to index
    %get3A_701 = arith.constant 80 : index
    %get3A_702 = tpu.vector_load %arg5[%get3A_700, %get3A_701] {strides = array<i32>} : memref<8x128xi32, #tpu.memory_space<vmem>>, vector<1x16xi32>,
    %get3A_703 = vector.shape_cast %get3A_702 : vector<1x16xi32> to vector<16xi32>
    %get3A_704 = arith.constant 7 : i32
    %get3A_705 = arith.index_cast %get3A_704 : i32 to index
    %get3A_706 = arith.constant 80 : index
    %get3A_707 = tpu.vector_load %arg5[%get3A_705, %get3A_706] {strides = array<i32>} : memref<8x128xi32, #tpu.memory_space<vmem>>, vector<1x16xi32>,
    %get3A_708 = vector.shape_cast %get3A_707 : vector<1x16xi32> to vector<16xi32>
    %mul3A_709 = arith.constant 1000 : i32
    %mul3A_710 = vector.broadcast %mul3A_709 : i32 to vector<16xi32>
    %mul3A_711 = arith.muli %get3A_703, %mul3A_710 : vector<16xi32>
    %add3A_712 = arith.addi %mul3A_711, %get3A_708 : vector<16xi32>
    %swap3A_713 = arith.constant 3 : i32
    %swap3A_714 = arith.index_cast %swap3A_713 : i32 to index
    %swap3A_715 = arith.constant 80 : index
    %swap3A_716 = tpu.vector_load %arg6[%swap3A_714, %swap3A_715] {strides = array<i32>} : memref<4x128xi32, #tpu.memory_space<vmem>>, vector<1x16xi32>,
    %swap3A_717 = vector.shape_cast %swap3A_716 : vector<1x16xi32> to vector<16xi32>
    %swap3A_718 = vector.shape_cast %add3A_712 : vector<16xi32> to vector<1x16xi32>
    tpu.vector_store %arg6[%swap3A_714, %swap3A_715], %swap3A_718 {strides = array<i32>} : memref<4x128xi32, #tpu.memory_space<vmem>>, vector<1x16xi32>,
    %get3A_719 = arith.constant 6 : i32
    %get3A_720 = arith.index_cast %get3A_719 : i32 to index
    %get3A_721 = arith.constant 96 : index
    %get3A_722 = tpu.vector_load %arg5[%get3A_720, %get3A_721] {strides = array<i32>} : memref<8x128xi32, #tpu.memory_space<vmem>>, vector<1x16xi32>,
    %get3A_723 = vector.shape_cast %get3A_722 : vector<1x16xi32> to vector<16xi32>
    %get3A_724 = arith.constant 7 : i32
    %get3A_725 = arith.index_cast %get3A_724 : i32 to index
    %get3A_726 = arith.constant 96 : index
    %get3A_727 = tpu.vector_load %arg5[%get3A_725, %get3A_726] {strides = array<i32>} : memref<8x128xi32, #tpu.memory_space<vmem>>, vector<1x16xi32>,
    %get3A_728 = vector.shape_cast %get3A_727 : vector<1x16xi32> to vector<16xi32>
    %mul3A_729 = arith.constant 1000 : i32
    %mul3A_730 = vector.broadcast %mul3A_729 : i32 to vector<16xi32>
    %mul3A_731 = arith.muli %get3A_723, %mul3A_730 : vector<16xi32>
    %add3A_732 = arith.addi %mul3A_731, %get3A_728 : vector<16xi32>
    %swap3A_733 = arith.constant 3 : i32
    %swap3A_734 = arith.index_cast %swap3A_733 : i32 to index
    %swap3A_735 = arith.constant 96 : index
    %swap3A_736 = tpu.vector_load %arg6[%swap3A_734, %swap3A_735] {strides = array<i32>} : memref<4x128xi32, #tpu.memory_space<vmem>>, vector<1x16xi32>,
    %swap3A_737 = vector.shape_cast %swap3A_736 : vector<1x16xi32> to vector<16xi32>
    %swap3A_738 = vector.shape_cast %add3A_732 : vector<16xi32> to vector<1x16xi32>
    tpu.vector_store %arg6[%swap3A_734, %swap3A_735], %swap3A_738 {strides = array<i32>} : memref<4x128xi32, #tpu.memory_space<vmem>>, vector<1x16xi32>,
    %get3A_739 = arith.constant 6 : i32
    %get3A_740 = arith.index_cast %get3A_739 : i32 to index
    %get3A_741 = arith.constant 112 : index
    %get3A_742 = tpu.vector_load %arg5[%get3A_740, %get3A_741] {strides = array<i32>} : memref<8x128xi32, #tpu.memory_space<vmem>>, vector<1x16xi32>,
    %get3A_743 = vector.shape_cast %get3A_742 : vector<1x16xi32> to vector<16xi32>
    %get3A_744 = arith.constant 7 : i32
    %get3A_745 = arith.index_cast %get3A_744 : i32 to index
    %get3A_746 = arith.constant 112 : index
    %get3A_747 = tpu.vector_load %arg5[%get3A_745, %get3A_746] {strides = array<i32>} : memref<8x128xi32, #tpu.memory_space<vmem>>, vector<1x16xi32>,
    %get3A_748 = vector.shape_cast %get3A_747 : vector<1x16xi32> to vector<16xi32>
    %mul3A_749 = arith.constant 1000 : i32
    %mul3A_750 = vector.broadcast %mul3A_749 : i32 to vector<16xi32>
    %mul3A_751 = arith.muli %get3A_743, %mul3A_750 : vector<16xi32>
    %add3A_752 = arith.addi %mul3A_751, %get3A_748 : vector<16xi32>
    %swap3A_753 = arith.constant 3 : i32
    %swap3A_754 = arith.index_cast %swap3A_753 : i32 to index
    %swap3A_755 = arith.constant 112 : index
    %swap3A_756 = tpu.vector_load %arg6[%swap3A_754, %swap3A_755] {strides = array<i32>} : memref<4x128xi32, #tpu.memory_space<vmem>>, vector<1x16xi32>,
    %swap3A_757 = vector.shape_cast %swap3A_756 : vector<1x16xi32> to vector<16xi32>
    %swap3A_758 = vector.shape_cast %add3A_752 : vector<16xi32> to vector<1x16xi32>
    tpu.vector_store %arg6[%swap3A_754, %swap3A_755], %swap3A_758 {strides = array<i32>} : memref<4x128xi32, #tpu.memory_space<vmem>>, vector<1x16xi32>,
    %dma_start3A_759 = arith.constant 3 : i32
    %dma_start3A_760 = arith.constant 384 : i32
    %dma_start3A_761 = tpu.memref_slice %arg7[%dma_start3A_760] : memref<512xf32, #tpu.memory_space<vmem>> -> memref<128xf32, #tpu.memory_space<vmem>>
    %dma_start3A_762 = arith.constant 0 : i32
    %dma_start3A_763 = tpu.memref_slice %arg6[%dma_start3A_759, %dma_start3A_762] : memref<4x128xi32, #tpu.memory_space<vmem>> -> memref<1x128xi32, #tpu.memory_space<vmem>>
    %dma_start3A_764 = tpu.memref_squeeze %dma_start3A_763 : memref<1x128xi32, #tpu.memory_space<vmem>> -> memref<128xi32, #tpu.memory_space<vmem>>
    %dma_start3A_765 = arith.constant 0 : i32
    %dma_start3A_766 = tpu.memref_slice %arg3[%dma_start3A_765] : memref<1000448xf32, #tpu.memory_space<hbm>> -> memref<1000448xf32, #tpu.memory_space<hbm>>
    tpu.enqueue_indirect_dma source(%dma_start3A_766 : memref<1000448xf32, #tpu.memory_space<hbm>>) target(%dma_start3A_761 : memref<128xf32, #tpu.memory_space<vmem>>) offsets(%dma_start3A_764 : memref<128xi32, #tpu.memory_space<vmem>>) semaphore(%arg9 : memref<!tpu.dma_semaphore, #tpu.memory_space<semaphore_mem>>)
    %dma_wait3A_767 = arith.constant 0 : i32
    %dma_wait3A_768 = arith.constant 0 : i32
    %dma_wait3A_769 = tpu.memref_slice %arg7[%dma_wait3A_768] : memref<512xf32, #tpu.memory_space<vmem>> -> memref<128xf32, #tpu.memory_space<vmem>>
    %dma_wait3A_770 = arith.constant 0 : i32
    %dma_wait3A_771 = tpu.memref_slice %arg6[%dma_wait3A_767, %dma_wait3A_770] : memref<4x128xi32, #tpu.memory_space<vmem>> -> memref<1x128xi32, #tpu.memory_space<vmem>>
    %dma_wait3A_772 = tpu.memref_squeeze %dma_wait3A_771 : memref<1x128xi32, #tpu.memory_space<vmem>> -> memref<128xi32, #tpu.memory_space<vmem>>
    %dma_wait3A_773 = arith.constant 0 : i32
    %dma_wait3A_774 = tpu.memref_slice %arg3[%dma_wait3A_773] : memref<1000448xf32, #tpu.memory_space<hbm>> -> memref<1000448xf32, #tpu.memory_space<hbm>>
    tpu.wait_indirect_dma semaphore(%arg9 : memref<!tpu.dma_semaphore, #tpu.memory_space<semaphore_mem>>) src(%dma_wait3A_774 : memref<1000448xf32, #tpu.memory_space<hbm>>) dst(%dma_wait3A_769 : memref<128xf32, #tpu.memory_space<vmem>>)
    %add3A_775 = arith.constant 0 : i32
    %add3A_776 = arith.addi %mul3A_2, %add3A_775 : i32
    %dma_start3A_777 = arith.constant 0 : i32
    %dma_start3A_778 = tpu.memref_slice %arg7[%dma_start3A_777] : memref<512xf32, #tpu.memory_space<vmem>> -> memref<128xf32, #tpu.memory_space<vmem>>
    %dma_start3A_779 = tpu.memref_slice %arg4[%add3A_776] : memref<16384xf32, #tpu.memory_space<hbm>> -> memref<128xf32, #tpu.memory_space<hbm>>
    %dma_start3A_780 = tpu.memref_slice %arg4[%add3A_776] : memref<16384xf32, #tpu.memory_space<hbm>> -> memref<128xf32, #tpu.memory_space<hbm>>
    %dma_start3A_781 = arith.constant 0 : i32
    %dma_start3A_782 = tpu.memref_slice %arg7[%dma_start3A_781] : memref<512xf32, #tpu.memory_space<vmem>> -> memref<128xf32, #tpu.memory_space<vmem>>
    tpu.enqueue_dma source(%dma_start3A_782 : memref<128xf32, #tpu.memory_space<vmem>>) target(%dma_start3A_780 : memref<128xf32, #tpu.memory_space<hbm>>) target_semaphore(%arg8 : memref<!tpu.dma_semaphore, #tpu.memory_space<semaphore_mem>>)
    %dma_wait3A_783 = arith.constant 1 : i32
    %dma_wait3A_784 = arith.constant 128 : i32
    %dma_wait3A_785 = tpu.memref_slice %arg7[%dma_wait3A_784] : memref<512xf32, #tpu.memory_space<vmem>> -> memref<128xf32, #tpu.memory_space<vmem>>
    %dma_wait3A_786 = arith.constant 0 : i32
    %dma_wait3A_787 = tpu.memref_slice %arg6[%dma_wait3A_783, %dma_wait3A_786] : memref<4x128xi32, #tpu.memory_space<vmem>> -> memref<1x128xi32, #tpu.memory_space<vmem>>
    %dma_wait3A_788 = tpu.memref_squeeze %dma_wait3A_787 : memref<1x128xi32, #tpu.memory_space<vmem>> -> memref<128xi32, #tpu.memory_space<vmem>>
    %dma_wait3A_789 = arith.constant 0 : i32
    %dma_wait3A_790 = tpu.memref_slice %arg3[%dma_wait3A_789] : memref<1000448xf32, #tpu.memory_space<hbm>> -> memref<1000448xf32, #tpu.memory_space<hbm>>
    tpu.wait_indirect_dma semaphore(%arg9 : memref<!tpu.dma_semaphore, #tpu.memory_space<semaphore_mem>>) src(%dma_wait3A_790 : memref<1000448xf32, #tpu.memory_space<hbm>>) dst(%dma_wait3A_785 : memref<128xf32, #tpu.memory_space<vmem>>)
    %add3A_791 = arith.constant 128 : i32
    %add3A_792 = arith.addi %mul3A_2, %add3A_791 : i32
    %dma_start3A_793 = arith.constant 128 : i32
    %dma_start3A_794 = tpu.memref_slice %arg7[%dma_start3A_793] : memref<512xf32, #tpu.memory_space<vmem>> -> memref<128xf32, #tpu.memory_space<vmem>>
    %dma_start3A_795 = tpu.memref_slice %arg4[%add3A_792] : memref<16384xf32, #tpu.memory_space<hbm>> -> memref<128xf32, #tpu.memory_space<hbm>>
    %dma_start3A_796 = tpu.memref_slice %arg4[%add3A_792] : memref<16384xf32, #tpu.memory_space<hbm>> -> memref<128xf32, #tpu.memory_space<hbm>>
    %dma_start3A_797 = arith.constant 128 : i32
    %dma_start3A_798 = tpu.memref_slice %arg7[%dma_start3A_797] : memref<512xf32, #tpu.memory_space<vmem>> -> memref<128xf32, #tpu.memory_space<vmem>>
    tpu.enqueue_dma source(%dma_start3A_798 : memref<128xf32, #tpu.memory_space<vmem>>) target(%dma_start3A_796 : memref<128xf32, #tpu.memory_space<hbm>>) target_semaphore(%arg8 : memref<!tpu.dma_semaphore, #tpu.memory_space<semaphore_mem>>)
    %dma_wait3A_799 = arith.constant 2 : i32
    %dma_wait3A_800 = arith.constant 256 : i32
    %dma_wait3A_801 = tpu.memref_slice %arg7[%dma_wait3A_800] : memref<512xf32, #tpu.memory_space<vmem>> -> memref<128xf32, #tpu.memory_space<vmem>>
    %dma_wait3A_802 = arith.constant 0 : i32
    %dma_wait3A_803 = tpu.memref_slice %arg6[%dma_wait3A_799, %dma_wait3A_802] : memref<4x128xi32, #tpu.memory_space<vmem>> -> memref<1x128xi32, #tpu.memory_space<vmem>>
    %dma_wait3A_804 = tpu.memref_squeeze %dma_wait3A_803 : memref<1x128xi32, #tpu.memory_space<vmem>> -> memref<128xi32, #tpu.memory_space<vmem>>
    %dma_wait3A_805 = arith.constant 0 : i32
    %dma_wait3A_806 = tpu.memref_slice %arg3[%dma_wait3A_805] : memref<1000448xf32, #tpu.memory_space<hbm>> -> memref<1000448xf32, #tpu.memory_space<hbm>>
    tpu.wait_indirect_dma semaphore(%arg9 : memref<!tpu.dma_semaphore, #tpu.memory_space<semaphore_mem>>) src(%dma_wait3A_806 : memref<1000448xf32, #tpu.memory_space<hbm>>) dst(%dma_wait3A_801 : memref<128xf32, #tpu.memory_space<vmem>>)
    %add3A_807 = arith.constant 256 : i32
    %add3A_808 = arith.addi %mul3A_2, %add3A_807 : i32
    %dma_start3A_809 = arith.constant 256 : i32
    %dma_start3A_810 = tpu.memref_slice %arg7[%dma_start3A_809] : memref<512xf32, #tpu.memory_space<vmem>> -> memref<128xf32, #tpu.memory_space<vmem>>
    %dma_start3A_811 = tpu.memref_slice %arg4[%add3A_808] : memref<16384xf32, #tpu.memory_space<hbm>> -> memref<128xf32, #tpu.memory_space<hbm>>
    %dma_start3A_812 = tpu.memref_slice %arg4[%add3A_808] : memref<16384xf32, #tpu.memory_space<hbm>> -> memref<128xf32, #tpu.memory_space<hbm>>
    %dma_start3A_813 = arith.constant 256 : i32
    %dma_start3A_814 = tpu.memref_slice %arg7[%dma_start3A_813] : memref<512xf32, #tpu.memory_space<vmem>> -> memref<128xf32, #tpu.memory_space<vmem>>
    tpu.enqueue_dma source(%dma_start3A_814 : memref<128xf32, #tpu.memory_space<vmem>>) target(%dma_start3A_812 : memref<128xf32, #tpu.memory_space<hbm>>) target_semaphore(%arg8 : memref<!tpu.dma_semaphore, #tpu.memory_space<semaphore_mem>>)
    %dma_wait3A_815 = arith.constant 3 : i32
    %dma_wait3A_816 = arith.constant 384 : i32
    %dma_wait3A_817 = tpu.memref_slice %arg7[%dma_wait3A_816] : memref<512xf32, #tpu.memory_space<vmem>> -> memref<128xf32, #tpu.memory_space<vmem>>
    %dma_wait3A_818 = arith.constant 0 : i32
    %dma_wait3A_819 = tpu.memref_slice %arg6[%dma_wait3A_815, %dma_wait3A_818] : memref<4x128xi32, #tpu.memory_space<vmem>> -> memref<1x128xi32, #tpu.memory_space<vmem>>
    %dma_wait3A_820 = tpu.memref_squeeze %dma_wait3A_819 : memref<1x128xi32, #tpu.memory_space<vmem>> -> memref<128xi32, #tpu.memory_space<vmem>>
    %dma_wait3A_821 = arith.constant 0 : i32
    %dma_wait3A_822 = tpu.memref_slice %arg3[%dma_wait3A_821] : memref<1000448xf32, #tpu.memory_space<hbm>> -> memref<1000448xf32, #tpu.memory_space<hbm>>
    tpu.wait_indirect_dma semaphore(%arg9 : memref<!tpu.dma_semaphore, #tpu.memory_space<semaphore_mem>>) src(%dma_wait3A_822 : memref<1000448xf32, #tpu.memory_space<hbm>>) dst(%dma_wait3A_817 : memref<128xf32, #tpu.memory_space<vmem>>)
    %add3A_823 = arith.constant 384 : i32
    %add3A_824 = arith.addi %mul3A_2, %add3A_823 : i32
    %dma_start3A_825 = arith.constant 384 : i32
    %dma_start3A_826 = tpu.memref_slice %arg7[%dma_start3A_825] : memref<512xf32, #tpu.memory_space<vmem>> -> memref<128xf32, #tpu.memory_space<vmem>>
    %dma_start3A_827 = tpu.memref_slice %arg4[%add3A_824] : memref<16384xf32, #tpu.memory_space<hbm>> -> memref<128xf32, #tpu.memory_space<hbm>>
    %dma_start3A_828 = tpu.memref_slice %arg4[%add3A_824] : memref<16384xf32, #tpu.memory_space<hbm>> -> memref<128xf32, #tpu.memory_space<hbm>>
    %dma_start3A_829 = arith.constant 384 : i32
    %dma_start3A_830 = tpu.memref_slice %arg7[%dma_start3A_829] : memref<512xf32, #tpu.memory_space<vmem>> -> memref<128xf32, #tpu.memory_space<vmem>>
    tpu.enqueue_dma source(%dma_start3A_830 : memref<128xf32, #tpu.memory_space<vmem>>) target(%dma_start3A_828 : memref<128xf32, #tpu.memory_space<hbm>>) target_semaphore(%arg8 : memref<!tpu.dma_semaphore, #tpu.memory_space<semaphore_mem>>)
    %dma_wait3A_831 = arith.constant 0 : i32
    %dma_wait3A_832 = tpu.memref_slice %arg7[%dma_wait3A_831] : memref<512xf32, #tpu.memory_space<vmem>> -> memref<128xf32, #tpu.memory_space<vmem>>
    %dma_wait3A_833 = tpu.memref_slice %arg4[%add3A_776] : memref<16384xf32, #tpu.memory_space<hbm>> -> memref<128xf32, #tpu.memory_space<hbm>>
    %dma_wait3A_834 = tpu.memref_slice %arg4[%add3A_776] : memref<16384xf32, #tpu.memory_space<hbm>> -> memref<128xf32, #tpu.memory_space<hbm>>
    %dma_wait3A_835 = arith.constant 0 : i32
    %dma_wait3A_836 = tpu.memref_slice %arg7[%dma_wait3A_835] : memref<512xf32, #tpu.memory_space<vmem>> -> memref<128xf32, #tpu.memory_space<vmem>>
    tpu.wait_dma2 semaphore(%arg8 : memref<!tpu.dma_semaphore, #tpu.memory_space<semaphore_mem>>) src(%dma_wait3A_836 : memref<128xf32, #tpu.memory_space<vmem>>) dst(%dma_wait3A_834 : memref<128xf32, #tpu.memory_space<hbm>>)
    %dma_wait3A_837 = arith.constant 128 : i32
    %dma_wait3A_838 = tpu.memref_slice %arg7[%dma_wait3A_837] : memref<512xf32, #tpu.memory_space<vmem>> -> memref<128xf32, #tpu.memory_space<vmem>>
    %dma_wait3A_839 = tpu.memref_slice %arg4[%add3A_792] : memref<16384xf32, #tpu.memory_space<hbm>> -> memref<128xf32, #tpu.memory_space<hbm>>
    %dma_wait3A_840 = tpu.memref_slice %arg4[%add3A_792] : memref<16384xf32, #tpu.memory_space<hbm>> -> memref<128xf32, #tpu.memory_space<hbm>>
    %dma_wait3A_841 = arith.constant 128 : i32
    %dma_wait3A_842 = tpu.memref_slice %arg7[%dma_wait3A_841] : memref<512xf32, #tpu.memory_space<vmem>> -> memref<128xf32, #tpu.memory_space<vmem>>
    tpu.wait_dma2 semaphore(%arg8 : memref<!tpu.dma_semaphore, #tpu.memory_space<semaphore_mem>>) src(%dma_wait3A_842 : memref<128xf32, #tpu.memory_space<vmem>>) dst(%dma_wait3A_840 : memref<128xf32, #tpu.memory_space<hbm>>)
    %dma_wait3A_843 = arith.constant 256 : i32
    %dma_wait3A_844 = tpu.memref_slice %arg7[%dma_wait3A_843] : memref<512xf32, #tpu.memory_space<vmem>> -> memref<128xf32, #tpu.memory_space<vmem>>
    %dma_wait3A_845 = tpu.memref_slice %arg4[%add3A_808] : memref<16384xf32, #tpu.memory_space<hbm>> -> memref<128xf32, #tpu.memory_space<hbm>>
    %dma_wait3A_846 = tpu.memref_slice %arg4[%add3A_808] : memref<16384xf32, #tpu.memory_space<hbm>> -> memref<128xf32, #tpu.memory_space<hbm>>
    %dma_wait3A_847 = arith.constant 256 : i32
    %dma_wait3A_848 = tpu.memref_slice %arg7[%dma_wait3A_847] : memref<512xf32, #tpu.memory_space<vmem>> -> memref<128xf32, #tpu.memory_space<vmem>>
    tpu.wait_dma2 semaphore(%arg8 : memref<!tpu.dma_semaphore, #tpu.memory_space<semaphore_mem>>) src(%dma_wait3A_848 : memref<128xf32, #tpu.memory_space<vmem>>) dst(%dma_wait3A_846 : memref<128xf32, #tpu.memory_space<hbm>>)
    %dma_wait3A_849 = arith.constant 384 : i32
    %dma_wait3A_850 = tpu.memref_slice %arg7[%dma_wait3A_849] : memref<512xf32, #tpu.memory_space<vmem>> -> memref<128xf32, #tpu.memory_space<vmem>>
    %dma_wait3A_851 = tpu.memref_slice %arg4[%add3A_824] : memref<16384xf32, #tpu.memory_space<hbm>> -> memref<128xf32, #tpu.memory_space<hbm>>
    %dma_wait3A_852 = tpu.memref_slice %arg4[%add3A_824] : memref<16384xf32, #tpu.memory_space<hbm>> -> memref<128xf32, #tpu.memory_space<hbm>>
    %dma_wait3A_853 = arith.constant 384 : i32
    %dma_wait3A_854 = tpu.memref_slice %arg7[%dma_wait3A_853] : memref<512xf32, #tpu.memory_space<vmem>> -> memref<128xf32, #tpu.memory_space<vmem>>
    tpu.wait_dma2 semaphore(%arg8 : memref<!tpu.dma_semaphore, #tpu.memory_space<semaphore_mem>>) src(%dma_wait3A_854 : memref<128xf32, #tpu.memory_space<vmem>>) dst(%dma_wait3A_852 : memref<128xf32, #tpu.memory_space<hbm>>)
    return
  }
}

</mosaic_0001>

<sc_bundles>
// kernel: kernel.3.cloned.1.call-start
scs
__scs_entry_jumppad:
0x0: {  	(pc) =	sbr.rel $0x88, $3  }
0x1: {  	(tag) =	ssettag $0x0;
	lr =	simm.s32 $0x1  }
0x2: {  	[smem:$0x3F9F] =	sst lr;
	_ =	strace $0xD0000000  }
0x3: {  	_ = 	snop  }
0x4: {  	_ = 	snop  }
0x5: {  	_ = 	snop  }
0x6: {  	_ = 	snop  }
0x7: {  	_ = 	snop  }
__scs_overlays_trampoline_lowered:
0x8: {  	[smem:$0x3FAE] =	sst s0  }
0x9: {  	[smem:$0x3FAF] =	sst s1  }
0xa: {  	[smem:$0x3FB0] =	sst s2  }
0xb: {  	[smem:$0x3FB1] =	sst s3  }
0xc: {  	[smem:$0x3FB2] =	sst s4  }
0xd: {  	[smem:$0x3FB3] =	sst s5  }
0xe: {  	[smem:$0x3FB4] =	sst s6  }
0xf: {  	[smem:$0x3FB5] =	sst s7  }
0x10: {  	[smem:$0x3FB6] =	sst s8  }
0x11: {  	[smem:$0x3FB7] =	sst s9;
	s0 =	simm.s32 @!p0 $0x0  }
0x12: {  	s1 =	sld [smem:$0x3F9D];
	s0 =	simm.s32 @p0 $0x1  }
0x13: {  	[smem:$0x3FB8] =	sst s0;
	s0 =	simm.s32 @!p1 $0x0  }
0x14: {  	s2 =	sld [smem:$0x3F9C];
	s0 =	simm.s32 @p1 $0x1  }
0x15: {  	[smem:$0x3FB9] =	sst s0;
	s0 =	simm.s32 @!p2 $0x0  }
0x16: {  	s3 =	sld [smem:$0x3FDB];
	s0 =	simm.s32 @p2 $0x1  }
0x17: {  	s4 =	simm.s32 $0x1BF5;
	[smem:$0x3FBB] =	sst s0  }
0x18: {  	s0 =	sld [smem:$0x3F9E];
	_ =	swait.ge [sflag:s4], $0x0  }
0x19: {  	s7 =	sld [smem:$0x3F9F]  }
0x1a: {  	s8 =	sadd.s32 $0xFFFFE003, lr  }
0x1b: {  	s9 =	sadd.s32 $0xFFFFFEF7, lr;
	s5 =	simm.s32 $0xFFFFFFFF;
	p2 =	slt.u32 s8, $0xFFFFF086  }
0x1c: {  	p1 =	slt.u32 s9, $0xF7A;
	s5 =	simm.s32 @!p2 $0x0  }
0x1d: {  	s5 =	simm.s32 @p1 $0x1;
	p0 =	seq.s32 s7, s2  }
0x1e: {  	s7 =	smul.u32 @!p0 $0xF7A, s2;
	p2 =	seq.s32 @!p0 s5, $0x0  }
0x1f: {  	s9 =	smul.u32 $0xF7A, s1;
	s8 =	simm.s32 @!p0 $0x1BF5;
	p2 =	por !p2, p0  }
0x20: {  	[sflag:s8] =	ssyncset.s32 @!p0 $0xFFFFF086;
	s6 =	sadd.s32 @!p0 s3, s7;
	s7 =	simm.s32 @!p0 $0x108  }
0x21: {  	s3 =	sadd.s32 s3, s9;
	s6 =	sadd.s32 @!p0 $0x88, s6;
	s7 =	simm.s32 @p2 $0x1082  }
0x22: {  	[simem:s7], [sflag:s8] =	dma.local @!p0 [hbm:s6], $0xF7A  }
0x23: {  	s9 =	sor.u32 $0xD0000000, s2;
	s6 =	simm.s32 $0x108;
	_ =	swait.ge @!p0 [sflag:s8], $0x0  }
0x24: {  	s3 =	sadd.s32 $0x88, s3;
	s6 =	simm.s32 @!p1 $0x1082;
	[sflag:s4] =	ssyncset.s32 $0xFFFFF086  }
0x25: {  	[simem:s6], [sflag:s4] =	dma.local [hbm:s3], $0xF7A  }
0x26: {  	[smem:$0x3F9F] =	sst s1;
	(tag) =	ssettag s2;
	_ =	strace s9  }
0x27: {  	s1 =	sld [smem:$0x3FAF]  }
0x28: {  	s2 =	sld [smem:$0x3FB0]  }
0x29: {  	s4 =	sld [smem:$0x3FB2]  }
0x2a: {  	p0 =	seq.s32 s5, $0x0;
	s5 =	sld [smem:$0x3FB3]  }
0x2b: {  	s6 =	sld [smem:$0x3FB4]  }
0x2c: {  	s7 =	sld [smem:$0x3FB5]  }
0x2d: {  	s3 =	simm.s32 $0x108;
	s8 =	sld [smem:$0x3FB6]  }
0x2e: {  	s3 =	simm.s32 @!p0 $0x1082;
	s9 =	sld [smem:$0x3FB7]  }
0x2f: {  	lr =	sadd.s32 s0, s3;
	s0 =	sld [smem:$0x3FAE]  }
0x30: {  	s3 =	sld [smem:$0x3FB1]  }
0x31: {  	[smem:$0x3FBA] =	sst s10  }
0x32: {  	s10 =	sld [smem:$0x3FB8];
	_ =	sdelay $0x3  }
0x33: {  	p0 =	seq.s32 s10, $0x1;
	s10 =	sld [smem:$0x3FBA];
	_ =	sdelay $0x3  }
0x34: {  	[smem:$0x3FBA] =	sst s10  }
0x35: {  	s10 =	sld [smem:$0x3FB9];
	_ =	sdelay $0x3  }
0x36: {  	p1 =	seq.s32 s10, $0x1;
	s10 =	sld [smem:$0x3FBA];
	_ =	sdelay $0x3  }
0x37: {  	[smem:$0x3FBA] =	sst s10  }
0x38: {  	s10 =	sld [smem:$0x3FBB]  }
0x39: {  	_ = 	snop;
	(pc) =	sbr.ind lr, $3  }
0x3a: {  	_ = 	snop  }
0x3b: {  	_ = 	snop  }
0x3c: {  	p2 =	seq.s32 s10, $0x1;
	s10 =	sld [smem:$0x3FBA]  }
0x3d: {  	_ =	shalt  }
0x3e: {  	_ =	shalt  }
0x3f: {  	_ =	shalt  }
0x40: {  	_ =	shalt  }
0x41: {  	_ =	shalt  }
0x42: {  	_ =	shalt  }
0x43: {  	_ =	shalt  }
0x44: {  	_ =	shalt  }
0x45: {  	_ =	shalt  }
0x46: {  	_ =	shalt  }
0x47: {  	_ =	shalt  }
0x48: {  	_ =	shalt  }
0x49: {  	_ =	shalt  }
0x4a: {  	_ =	shalt  }
0x4b: {  	_ =	shalt  }
0x4c: {  	_ =	shalt  }
0x4d: {  	_ =	shalt  }
0x4e: {  	_ =	shalt  }
0x4f: {  	_ =	shalt  }
0x50: {  	_ =	shalt  }
0x51: {  	_ =	shalt  }
0x52: {  	_ =	shalt  }
0x53: {  	_ =	shalt  }
0x54: {  	_ =	shalt  }
0x55: {  	_ =	shalt  }
0x56: {  	_ =	shalt  }
0x57: {  	_ =	shalt  }
0x58: {  	_ =	shalt  }
0x59: {  	_ =	shalt  }
0x5a: {  	_ =	shalt  }
0x5b: {  	_ =	shalt  }
0x5c: {  	_ =	shalt  }
0x5d: {  	_ =	shalt  }
0x5e: {  	_ =	shalt  }
0x5f: {  	_ =	shalt  }
0x60: {  	_ =	shalt  }
0x61: {  	_ =	shalt  }
0x62: {  	_ =	shalt  }
0x63: {  	_ =	shalt  }
0x64: {  	_ =	shalt  }
0x65: {  	_ =	shalt  }
0x66: {  	_ =	shalt  }
0x67: {  	_ =	shalt  }
0x68: {  	_ =	shalt  }
0x69: {  	_ =	shalt  }
0x6a: {  	_ =	shalt  }
0x6b: {  	_ =	shalt  }
0x6c: {  	_ =	shalt  }
0x6d: {  	_ =	shalt  }
0x6e: {  	_ =	shalt  }
0x6f: {  	_ =	shalt  }
0x70: {  	_ =	shalt  }
0x71: {  	_ =	shalt  }
0x72: {  	_ =	shalt  }
0x73: {  	_ =	shalt  }
0x74: {  	_ =	shalt  }
0x75: {  	_ =	shalt  }
0x76: {  	_ =	shalt  }
0x77: {  	_ =	shalt  }
0x78: {  	_ =	shalt  }
0x79: {  	_ =	shalt  }
0x7a: {  	_ =	shalt  }
0x7b: {  	_ =	shalt  }
0x7c: {  	_ =	shalt  }
0x7d: {  	_ =	shalt  }
0x7e: {  	_ =	shalt  }
0x7f: {  	_ =	shalt  }
0x80: {  	_ =	shalt  }
0x81: {  	_ =	shalt  }
0x82: {  	_ =	shalt  }
0x83: {  	_ =	shalt  }
0x84: {  	_ =	shalt  }
0x85: {  	_ =	shalt  }
0x86: {  	_ =	shalt  }
0x87: {  	_ =	shalt  }
.Lfunc_end0:
.L_simem_size_0:
called_computation_lowered:
.L_overlay_start_0:
0x88: {  	s2 =	sld [smem:$0x3FD9]  }
0x89: {  	s3 =	sld [smem:$0x3FFE];
	_ =	sdelay $0x1  }
0x8a: {  	s1 =	srdreg.scid  }
0x8b: {  	s0 =	sand.u32 $0x1, s1  }
0x8c: {  	s17 =	sshll.u32 s0, $0xA;
	s2 =	sadd.s32 s3, s2  }
0x8d: {  	s2 =	sadd.s32 s2, s17  }
0x8e: {  	[smem:$0x3FC6] =	sst s2  }
0x8f: {  	_ = 	snop  }
0x90: {  	s2 =	sld [smem:$0x3FC9]  }
0x91: {  	s18 =	sld [smem:$0x3FD0];
	(tm) =	ssettm $0x1  }
0x92: {  	s4 =	sld [smem:$0x3FFB];
	_ =	sdelay $0x3  }
0x93: {  	_ =	strace s4  }
0x94: {  	s4 =	sld [smem:$0x3FFC];
	_ =	sdelay $0x3  }
0x95: {  	_ =	strace s4  }
0x96: {  	s4 =	sld [smem:$0x3FFD];
	_ =	sdelay $0x3  }
0x97: {  	_ =	strace s4  }
0x98: {  	_ =	strace $0x8FFFFFFF  }
0x99: {  	s19 =	sld [smem:$0x3FDB];
	_ =	sdelay $0x1  }
0x9a: {  	s5 =	simm.s32 $_scs_section_size  }
0x9b: {  	s6 =	simm.s32 $_size__tile_overlayer_lowered;
	s7 =	simm.s32 $_tile_overlayer_lowered  }
0x9c: {  	s22 =	simm.s32 $0x1BFF;
	s21 =	sshll.u32 s7, $0x1;
	s4 =	sadd.s32 s5, s19  }
0x9d: {  	s8 =	simm.s32 $0x0;
	s20 =	sshll.u32 s6, $0x1;
	s6 =	sadd.s32 s21, s4  }
0x9e: {  	[timem:s8], [sflag:s22] =	dma.local [hbm:s6], s20  }
0x9f: {  	_ =	swait.ge [sflag:s22], s20  }
0xa0: {  	s5 =	ssub.s32 $0x0, s20;
	[sflag:s22] =	ssyncset.done $0x0  }
0xa1: {  	[sflag:s22] =	ssyncadd.s32 s5;
	_ =	sdelay $0x1  }
0xa2: {  	s23 =	simm.s32 $0x1B8B  }
0xa3: {  	_ =	swait.ge [sflag:s23], $0x1  }
0xa4: {  	[sflag:s23] =	ssyncset.done $0x0  }
0xa5: {  	s25 =	simm.s32 $0x1B8E;
	s24 =	sld [smem:$0x3FFE];
	[sflag:s23] =	ssyncadd.s32 $0xFFFFFFFF  }
0xa6: {  	s26 =	simm.s32 $execute0_lowered;
	[smem:$0x3FD2] =	sst s25  }
0xa7: {  	s6 =	sshll.u32 s26, $0x1;
	_ =	strace $0x80000046;
	[dreg:$0x1] =	wrdreg $0xFFFFFFFF  }
0xa8: {  	s28 =	simm.s32 $_size_execute0_lowered;
	s4 =	sadd.s32 s4, s6;
	[dreg:$0x0] =	wrdreg $0x0  }
0xa9: {  	s6 =	sshll.u32 s28, $0x1;
	[dreg:$0x2] =	wrdreg s4  }
0xaa: {  	[dreg:$0x3] =	wrdreg s6  }
0xab: {  	[dreg:$0x4] =	wrdreg $0xC0  }
0xac: {  	_ =	task [dreg:s8], $0x5FFFF  }
0xad: {  	[dreg:$0x1] =	wrdreg $0xFFFFFFFF  }
0xae: {  	[dreg:$0x0] =	wrdreg $0x60  }
0xaf: {  	[dreg:$0x2] =	wrdreg s2  }
0xb0: {  	[dreg:$0x3] =	wrdreg s24  }
0xb1: {  	[dreg:$0x4] =	wrdreg s18  }
0xb2: {  	[dreg:$0x5] =	wrdreg $0x9  }
0xb3: {  	_ =	task.clear_ibuf [dreg:s8], $0x6FFFF;
	_ =	strace $0x90000046  }
0xb4: {  	s29 =	simm.s32 $0x9;
	_ =	strace $0x80000048  }
0xb5: {  	_ =	swait.ge [sflag:s29], $0x1  }
0xb6: {  	[sflag:s29] =	ssyncadd.s32 $0xFFFFFFFF  }
0xb7: {  	_ =	strace $0x90000048  }
0xb8: {  	_ =	sfence  }
0xb9: {  	s30 =	sld [smem:$0x0];
	_ =	sdelay $0x2  }
0xba: {  	s31 =	sshll.u32 s1, $0xD;
	s1 =	sshrl.u32 s1, $0x2  }
0xbb: {  	s3 =	sand.u32 $0x4000, s31;
	s1 =	sadd.s32 s1, s30  }
0xbc: {  	s0 =	sor.u32 s3, s0;
	s1 =	sshll.u32 s1, $0x11  }
0xbd: {  	s0 =	sor.u32 s1, s0  }
0xbe: {  	s0 =	sadd.s32 $0x8F2B, s0  }
0xbf: {  	[sflag:s0] =	ssyncadd.remote.s32 $0x1  }
0xc0: {  	_ =	sfence.sel $0xFFFF  }
0xc1: {  	[dreg:$0x0] =	wrdreg $0xFFFFFFFF;
	(pc) =	sbr.abs _section_cstart, $3  }
0xc2: {  	[dreg:$0x1] =	wrdreg $0xFFFFFFFF  }
0xc3: {  	_ =	task.clear_ibuf [dreg:s8], $0x2FFFF;
	_ =	strace $0x9FFFFFFF  }
0xc4: {  	(tm) =	ssettm $0x7FFFFFFF  }
0xc5: {  	_ =	shalt  }
tec
execute0_lowered:
.L_overlay_start_1:
0x0: {  	(tag) =	ssettag $0x1  }
0x1: {  	s4 =	rddreg [dreg:$0x0]  }
0x2: {  	s3 =	rddreg [dreg:$0x1]  }
0x3: {  	s8 =	rddreg [dreg:$0x2]  }
0x4: {  	s0 =	rddreg [dreg:$0x3];
	s5 =	srdreg.scid  }
0x5: {  	s1 =	stileid.u32;
	s2 =	simm.s32 $0x0;
	s13 =	simm.s32 $0x100  }
0x6: {  	s14 =	simm.s32 $0x200;
	s15 =	simm.s32 $0x300;
	s16 =	simm.s32 $0x1  }
0x7: {  	s17 =	simm.s32 $0x80;
	s18 =	simm.s32 $0x400;
	s19 =	simm.s32 $0x600  }
0x8: {  	s20 =	simm.s32 $0x480;
	s21 =	simm.s32 $0x680;
	s22 =	simm.s32 $0x500  }
0x9: {  	s23 =	simm.s32 $0x700;
	s24 =	simm.s32 $0x580;
	s25 =	simm.s32 $0x780  }
0xa: {  	s26 =	simm.s32 $0x2;
	s5 =	sand.u32 $0x1, s5;
	s6 =	sshll.u32 s1, $0x1  }
0xb: {  	[smem:$0x7FF] =	sst s2;
	s3 =	sadd.s32 $0x400, s3;
	s6 =	sor.u32 s5, s6  }
0xc: {  	_ =	strace $0x80000047;
	s5 =	ssub.s32 $0x2, s5;
	s7 =	sshll.u32 s6, $0x7  }
0xd: {  	s9 =	sshrl.u32 s5, $0x1;
	s31 =	sshll.u32 s6, $0x6;
	s4 =	sadd.s32 s4, s7  }
0xe: {  	s12 =	ssub.s32 s5, s9;
	s8 =	sadd.s32 s8, s31;
	s5 =	sadd.s32 $0x20, s4  }
0xf: {  	s6 =	sadd.s32 $0x40, s4;
	s7 =	sadd.s32 $0x60, s4;
	s9 =	sadd.s32 $0x10, s8  }
0x10: {  	s10 =	sadd.s32 $0x20, s8;
	s11 =	sadd.s32 $0x30, s8;
	s12 =	smax.u32 s12, $0x1  }
.LBB2_1:
0x11: {  	[tilespmem:s2], [sflag:$0x1] =	stream.linear.gather [hbm4b:s4+s2], $0x100, $0x38;
	[tilespmem:$0x800] =	vst v63  }
0x12: {  	_ = 	snop  }
0x13: {  	[tilespmem:s13], [sflag:$0x1] =	stream.linear.gather [hbm4b:s5+s2], $0x100, $0x38;
	[tilespmem:$0x800] =	vst v63  }
0x14: {  	_ = 	snop  }
0x15: {  	[tilespmem:s14], [sflag:$0x1] =	stream.linear.gather [hbm4b:s6+s2], $0x100, $0x38;
	[tilespmem:$0x800] =	vst v63  }
0x16: {  	_ = 	snop  }
0x17: {  	[tilespmem:s15], [sflag:$0x1] =	stream.linear.gather [hbm4b:s7+s2], $0x100, $0x38;
	[tilespmem:$0x800] =	vst v63  }
0x18: {  	_ =	swait.ge [sflag:s16], $0x100  }
0x19: {  	[sflag:s16] =	ssyncset.done $0x0  }
0x1a: {  	[sflag:s16] =	ssyncadd.s32 $0xFFFFFF00  }
0x1b: {  	v0 =	vld [tilespmem:$0x0]  }
0x1c: {  	v1 =	vld [tilespmem:$0x80]  }
0x1d: {  	v2 =	vld [tilespmem:$0x10]  }
0x1e: {  	v3 =	vld [tilespmem:$0x90]  }
0x1f: {  	v4 =	vld [tilespmem:$0x20]  }
0x20: {  	v5 =	vld [tilespmem:$0xA0]  }
0x21: {  	v6 =	vld [tilespmem:$0x30]  }
0x22: {  	v7 =	vld [tilespmem:$0xB0]  }
0x23: {  	v8 =	vld [tilespmem:$0x40]  }
0x24: {  	v9 =	vld [tilespmem:$0xC0]  }
0x25: {  	v10 =	vld [tilespmem:$0x50]  }
0x26: {  	v11 =	vld [tilespmem:$0xD0];
	v0 =	vmul.u32 $0x3E8, v0  }
0x27: {  	v12 =	vld [tilespmem:$0x60];
	v2 =	vmul.u32 $0x3E8, v2  }
0x28: {  	v61 =	vld [tilespmem:$0x70];
	v60 =	vmul.u32 $0x3E8, v4;
	v0 =	vadd.s32 v1, v0  }
0x29: {  	v13 =	vld [tilespmem:$0xE0];
	v63 =	vmul.u32 $0x3E8, v6;
	v62 =	vadd.s32 v3, v2;
	[tilespmem:$0x400] =	vst v0  }
0x2a: {  	v16 =	vld [tilespmem:$0xF0];
	v15 =	vmul.u32 $0x3E8, v8;
	v14 =	vadd.s32 v5, v60;
	[tilespmem:$0x410] =	vst v62  }
0x2b: {  	v18 =	vmul.u32 $0x3E8, v10;
	v17 =	vadd.s32 v7, v63;
	[tilespmem:$0x420] =	vst v14  }
0x2c: {  	v20 =	vmul.u32 $0x3E8, v12;
	v19 =	vadd.s32 v9, v15;
	[tilespmem:$0x430] =	vst v17  }
0x2d: {  	v22 =	vmul.u32 $0x3E8, v61;
	v21 =	vadd.s32 v11, v18;
	[tilespmem:$0x440] =	vst v19  }
0x2e: {  	v23 =	vadd.s32 v13, v20;
	[tilespmem:$0x450] =	vst v21  }
0x2f: {  	v24 =	vadd.s32 v16, v22;
	[tilespmem:$0x460] =	vst v23  }
0x30: {  	[tilespmem:$0x470] =	vst v24  }
0x31: {  	[tilespmem:s19], [sflag:$0x2] =	stream.indirect.gather [hbm4b:s3+s17], $0x1, s18, s17, $0xb8;
	[tilespmem:$0x800] =	vst v63  }
0x32: {  	_ =	swait.ge [sflag:s16], $0x100  }
0x33: {  	[sflag:s16] =	ssyncset.done $0x0  }
0x34: {  	[sflag:s16] =	ssyncadd.s32 $0xFFFFFF00  }
0x35: {  	v25 =	vld [tilespmem:$0x100]  }
0x36: {  	v26 =	vld [tilespmem:$0x180]  }
0x37: {  	v27 =	vld [tilespmem:$0x110]  }
0x38: {  	v28 =	vld [tilespmem:$0x190]  }
0x39: {  	v29 =	vld [tilespmem:$0x120]  }
0x3a: {  	v30 =	vld [tilespmem:$0x1A0]  }
0x3b: {  	v31 =	vld [tilespmem:$0x130]  }
0x3c: {  	v32 =	vld [tilespmem:$0x1B0]  }
0x3d: {  	v33 =	vld [tilespmem:$0x140]  }
0x3e: {  	v34 =	vld [tilespmem:$0x1C0]  }
0x3f: {  	v35 =	vld [tilespmem:$0x150]  }
0x40: {  	v36 =	vld [tilespmem:$0x1D0];
	v0 =	vmul.u32 $0x3E8, v25  }
0x41: {  	v37 =	vld [tilespmem:$0x160];
	v2 =	vmul.u32 $0x3E8, v27  }
0x42: {  	v39 =	vld [tilespmem:$0x170];
	v38 =	vmul.u32 $0x3E8, v29;
	v0 =	vadd.s32 v26, v0  }
0x43: {  	v42 =	vld [tilespmem:$0x1E0];
	v41 =	vmul.u32 $0x3E8, v31;
	v40 =	vadd.s32 v28, v2;
	[tilespmem:$0x480] =	vst v0  }
0x44: {  	v45 =	vld [tilespmem:$0x1F0];
	v44 =	vmul.u32 $0x3E8, v33;
	v43 =	vadd.s32 v30, v38;
	[tilespmem:$0x490] =	vst v40  }
0x45: {  	v47 =	vmul.u32 $0x3E8, v35;
	v46 =	vadd.s32 v32, v41;
	[tilespmem:$0x4A0] =	vst v43  }
0x46: {  	v49 =	vmul.u32 $0x3E8, v37;
	v48 =	vadd.s32 v34, v44;
	[tilespmem:$0x4B0] =	vst v46  }
0x47: {  	v51 =	vmul.u32 $0x3E8, v39;
	v50 =	vadd.s32 v36, v47;
	[tilespmem:$0x4C0] =	vst v48  }
0x48: {  	v52 =	vadd.s32 v42, v49;
	[tilespmem:$0x4D0] =	vst v50  }
0x49: {  	v53 =	vadd.s32 v45, v51;
	[tilespmem:$0x4E0] =	vst v52  }
0x4a: {  	[tilespmem:$0x4F0] =	vst v53  }
0x4b: {  	[tilespmem:s21], [sflag:$0x2] =	stream.indirect.gather [hbm4b:s3+s17], $0x1, s20, s17, $0xb8;
	[tilespmem:$0x800] =	vst v63  }
0x4c: {  	_ =	swait.ge [sflag:s16], $0x100  }
0x4d: {  	[sflag:s16] =	ssyncset.done $0x0  }
0x4e: {  	[sflag:s16] =	ssyncadd.s32 $0xFFFFFF00  }
0x4f: {  	v54 =	vld [tilespmem:$0x200]  }
0x50: {  	v55 =	vld [tilespmem:$0x280]  }
0x51: {  	v56 =	vld [tilespmem:$0x210]  }
0x52: {  	v57 =	vld [tilespmem:$0x290]  }
0x53: {  	v58 =	vld [tilespmem:$0x220]  }
0x54: {  	v59 =	vld [tilespmem:$0x2A0]  }
0x55: {  	v60 =	vld [tilespmem:$0x230]  }
0x56: {  	v61 =	vld [tilespmem:$0x2B0]  }
0x57: {  	v62 =	vld [tilespmem:$0x240]  }
0x58: {  	v63 =	vld [tilespmem:$0x2C0]  }
0x59: {  	v16 =	vld [tilespmem:$0x250]  }
0x5a: {  	v17 =	vld [tilespmem:$0x2D0];
	v0 =	vmul.u32 $0x3E8, v54  }
0x5b: {  	v18 =	vld [tilespmem:$0x260];
	v2 =	vmul.u32 $0x3E8, v56  }
0x5c: {  	v20 =	vld [tilespmem:$0x270];
	v19 =	vmul.u32 $0x3E8, v58;
	v0 =	vadd.s32 v55, v0  }
0x5d: {  	v23 =	vld [tilespmem:$0x2E0];
	v22 =	vmul.u32 $0x3E8, v60;
	v21 =	vadd.s32 v57, v2;
	[tilespmem:$0x500] =	vst v0  }
0x5e: {  	v26 =	vld [tilespmem:$0x2F0];
	v25 =	vmul.u32 $0x3E8, v62;
	v24 =	vadd.s32 v59, v19;
	[tilespmem:$0x510] =	vst v21  }
0x5f: {  	v28 =	vmul.u32 $0x3E8, v16;
	v27 =	vadd.s32 v61, v22;
	[tilespmem:$0x520] =	vst v24  }
0x60: {  	v30 =	vmul.u32 $0x3E8, v18;
	v29 =	vadd.s32 v63, v25;
	[tilespmem:$0x530] =	vst v27  }
0x61: {  	v32 =	vmul.u32 $0x3E8, v20;
	v31 =	vadd.s32 v17, v28;
	[tilespmem:$0x540] =	vst v29  }
0x62: {  	v33 =	vadd.s32 v23, v30;
	[tilespmem:$0x550] =	vst v31  }
0x63: {  	v34 =	vadd.s32 v26, v32;
	[tilespmem:$0x560] =	vst v33  }
0x64: {  	[tilespmem:$0x570] =	vst v34  }
0x65: {  	[tilespmem:s23], [sflag:$0x2] =	stream.indirect.gather [hbm4b:s3+s17], $0x1, s22, s17, $0xb8;
	[tilespmem:$0x800] =	vst v63  }
0x66: {  	_ =	swait.ge [sflag:s16], $0x100  }
0x67: {  	[sflag:s16] =	ssyncset.done $0x0  }
0x68: {  	[sflag:s16] =	ssyncadd.s32 $0xFFFFFF00  }
0x69: {  	v35 =	vld [tilespmem:$0x300]  }
0x6a: {  	v36 =	vld [tilespmem:$0x380]  }
0x6b: {  	v37 =	vld [tilespmem:$0x310]  }
0x6c: {  	v38 =	vld [tilespmem:$0x390]  }
0x6d: {  	v39 =	vld [tilespmem:$0x320]  }
0x6e: {  	v40 =	vld [tilespmem:$0x3A0]  }
0x6f: {  	v41 =	vld [tilespmem:$0x330]  }
0x70: {  	v42 =	vld [tilespmem:$0x3B0]  }
0x71: {  	v43 =	vld [tilespmem:$0x340]  }
0x72: {  	v44 =	vld [tilespmem:$0x3C0]  }
0x73: {  	v45 =	vld [tilespmem:$0x350]  }
0x74: {  	v46 =	vld [tilespmem:$0x3D0];
	v0 =	vmul.u32 $0x3E8, v35  }
0x75: {  	v47 =	vld [tilespmem:$0x360];
	v2 =	vmul.u32 $0x3E8, v37  }
0x76: {  	v49 =	vld [tilespmem:$0x370];
	v48 =	vmul.u32 $0x3E8, v39;
	v0 =	vadd.s32 v36, v0  }
0x77: {  	v52 =	vld [tilespmem:$0x3E0];
	v51 =	vmul.u32 $0x3E8, v41;
	v50 =	vadd.s32 v38, v2;
	[tilespmem:$0x580] =	vst v0  }
0x78: {  	v55 =	vld [tilespmem:$0x3F0];
	v54 =	vmul.u32 $0x3E8, v43;
	v53 =	vadd.s32 v40, v48;
	[tilespmem:$0x590] =	vst v50  }
0x79: {  	v57 =	vmul.u32 $0x3E8, v45;
	v56 =	vadd.s32 v42, v51;
	[tilespmem:$0x5A0] =	vst v53  }
0x7a: {  	v59 =	vmul.u32 $0x3E8, v47;
	v58 =	vadd.s32 v44, v54;
	[tilespmem:$0x5B0] =	vst v56  }
0x7b: {  	v61 =	vmul.u32 $0x3E8, v49;
	v60 =	vadd.s32 v46, v57;
	[tilespmem:$0x5C0] =	vst v58  }
0x7c: {  	v62 =	vadd.s32 v52, v59;
	[tilespmem:$0x5D0] =	vst v60  }
0x7d: {  	v63 =	vadd.s32 v55, v61;
	[tilespmem:$0x5E0] =	vst v62  }
0x7e: {  	[tilespmem:$0x5F0] =	vst v63  }
0x7f: {  	[tilespmem:s25], [sflag:$0x2] =	stream.indirect.gather [hbm4b:s3+s17], $0x1, s24, s17, $0xb8;
	[tilespmem:$0x800] =	vst v63  }
0x80: {  	_ =	swait.ge [sflag:s26], $0x80  }
0x81: {  	[sflag:s26] =	ssyncset.done $0x0  }
0x82: {  	[sflag:s26] =	ssyncadd.s32 $0xFFFFFF80  }
0x83: {  	[hbm4b:s8+s2] =	stream.linear.scatter [tilespmem:s19], [sflag:$0x1], $0x80, $0x38;
	[tilespmem:$0x800] =	vst v63  }
0x84: {  	_ =	swait.ge [sflag:s26], $0x80  }
0x85: {  	[sflag:s26] =	ssyncset.done $0x0  }
0x86: {  	[sflag:s26] =	ssyncadd.s32 $0xFFFFFF80  }
0x87: {  	[hbm4b:s9+s2] =	stream.linear.scatter [tilespmem:s21], [sflag:$0x1], $0x80, $0x38;
	[tilespmem:$0x800] =	vst v63  }
0x88: {  	_ =	swait.ge [sflag:s26], $0x80  }
0x89: {  	[sflag:s26] =	ssyncset.done $0x0  }
0x8a: {  	[sflag:s26] =	ssyncadd.s32 $0xFFFFFF80  }
0x8b: {  	[hbm4b:s10+s2] =	stream.linear.scatter [tilespmem:s23], [sflag:$0x1], $0x80, $0x38;
	[tilespmem:$0x800] =	vst v63  }
0x8c: {  	_ =	swait.ge [sflag:s26], $0x80  }
0x8d: {  	[sflag:s26] =	ssyncset.done $0x0  }
0x8e: {  	[sflag:s26] =	ssyncadd.s32 $0xFFFFFF80  }
0x8f: {  	[hbm4b:s11+s2] =	stream.linear.scatter [tilespmem:s25], [sflag:$0x1], $0x80, $0x38;
	[tilespmem:$0x800] =	vst v63  }
0x90: {  	_ =	swait.ge [sflag:s16], $0x80  }
0x91: {  	[sflag:s16] =	ssyncset.done $0x0  }
0x92: {  	[sflag:s16] =	ssyncadd.s32 $0xFFFFFF80  }
0x93: {  	_ =	swait.ge [sflag:s16], $0x80  }
0x94: {  	[sflag:s16] =	ssyncset.done $0x0  }
0x95: {  	[sflag:s16] =	ssyncadd.s32 $0xFFFFFF80  }
0x96: {  	p0 =	sne.s32 s12, $0x1;
	_ =	swait.ge [sflag:s16], $0x80  }
.Ltmp0:
0x97: {  	[sflag:s16] =	ssyncset.done $0x0;
	(pc) =	sbr.rel @p0 .LBB2_1-.Ltmp0, $4  }
0x98: {  	[sflag:s16] =	ssyncadd.s32 $0xFFFFFF80  }
0x99: {  	_ =	swait.ge [sflag:s16], $0x80  }
0x9a: {  	[sflag:s16] =	ssyncset.done $0x0  }
0x9b: {  	s12 =	sadd.s32 $0xFFFFFFFF, s12;
	[sflag:s16] =	ssyncadd.s32 $0xFFFFFF80  }
0x9c: {  	_ =	sfence.sel $0x180000  }
0x9d: {  	[bflag:$0x0] =	sbarrier.arrive $0xFFFF  }
0x9e: {  	p0 =	sne.s32 s1, $0x0;
	_ =	strace $0x90000047  }
0x9f: {  	s0 =	sadd.s32 @!p0 $0x100000, s0;
	[bflag:$0x2] =	sbarrier.arrive $0xFFFF  }
0xa0: {  	[sflag:s0] =	ssyncadd.tile.s32 @!p0 $0x1;
	_ =	shalt  }
.Lfunc_end2:
_tile_overlayer_lowered:
.L_overlay_start_2:
0xa1: {  	(tag) =	ssettag $0x2  }
0xa2: {  	s0 =	rddreg [dreg:$0x0];
	s2 =	stileid.u32  }
0xa3: {  	s1 =	rddreg [dreg:$0x1];
	p0 =	sne.s32 s2, $0x0  }
0xa4: {  	s3 =	rddreg [dreg:$0x2];
	[bflag:$0x3] =	sbarrier.arrive $0xFFFF;
	s2 =	simm.s32 @!p0 $0x1C03  }
0xa5: {  	[timem:s3], [sflag:s2] =	dma.local @!p0 [hbm:s0], s1  }
0xa6: {  	s0 =	simm.s32 @!p0 $0x3  }
0xa7: {  	_ =	swait.ge @!p0 [sflag:s0], s1  }
0xa8: {  	s1 =	ssub.s32 @!p0 $0x0, s1;
	[sflag:s0] =	ssyncset.done @!p0 $0x0  }
0xa9: {  	[sflag:s0] =	ssyncadd.s32 @!p0 s1  }
0xaa: {  	[bflag:$0x3] =	sbarrier.arrive $0xFFFF  }
0xab: {  	_ =	shalt  }

</sc_bundles>
